<compile_context>
chip_gen: v7x
topology: tpu7x:2x2x1
jax: 0.10.2.dev20260603
libtpu: 0.0.44.dev20260713+nightly
codegen_flags: <defaults>
</compile_context>

<pallas_src>
import functools

import jax
import jax.numpy as jnp
from jax import lax
from jax.experimental import pallas as pl
from jax.experimental.pallas import tpu as pltpu
from jax.experimental.pallas import tpu_sc as plsc

NUM_TYPES = 11
B = 1024
M = 4096
Q = M // 4
LANES = 16
NW = 32
SPW = B // NW
NVR = M // LANES
RB = 128

_mesh = plsc.VectorSubcoreMesh(core_axis_name="c", subcore_axis_name="s")


def _pack_body(res_ref, atm_ref, out_ref):
    s = res_ref[...] + atm_ref[...]
    s = s - jnp.where(s >= 44, 44, 0)
    s = s - jnp.where(s >= 22, 22, 0)
    s = s - jnp.where(s >= 11, 11, 0)
    out_ref[...] = (
        s[:, 0:Q]
        | (s[:, Q:2 * Q] << 8)
        | (s[:, 2 * Q:3 * Q] << 16)
        | (s[:, 3 * Q:4 * Q] << 24)
    )


_pack_types_tc = pl.pallas_call(
    _pack_body,
    grid=(B // RB,),
    in_specs=[
        pl.BlockSpec((RB, M), lambda i: (i, 0)),
        pl.BlockSpec((RB, M), lambda i: (i, 0)),
    ],
    out_specs=pl.BlockSpec((RB, Q), lambda i: (i, 0)),
    out_shape=jax.ShapeDtypeStruct((B, Q), jnp.int32),
)


@functools.partial(
    pl.kernel,
    out_type=[
        jax.ShapeDtypeStruct((B, 3 * M), jnp.float32),
        jax.ShapeDtypeStruct((B * NUM_TYPES,), jnp.int32),
        jax.ShapeDtypeStruct((B * NUM_TYPES,), jnp.int32),
    ],
    mesh=_mesh,
    scratch_types=[
        pltpu.VMEM((Q,), jnp.int32),
        pltpu.VMEM((Q,), jnp.int32),
        pltpu.VMEM((3 * M,), jnp.float32),
        pltpu.VMEM((3 * M,), jnp.float32),
        pltpu.VMEM((3 * M,), jnp.float32),
        pltpu.VMEM((3 * M,), jnp.float32),
        pltpu.VMEM((M,), jnp.int32),
        pltpu.VMEM((M,), jnp.int32),
        pltpu.VMEM((LANES,), jnp.int32),
        pltpu.VMEM((SPW,), jnp.int32),
        pltpu.VMEM((SPW * NUM_TYPES,), jnp.int32),
        pltpu.VMEM((SPW * NUM_TYPES,), jnp.int32),
        pltpu.SemaphoreType.DMA,
        pltpu.SemaphoreType.DMA,
        pltpu.SemaphoreType.DMA,
        pltpu.SemaphoreType.DMA,
    ],
    compiler_params=pltpu.CompilerParams(needs_layout_passes=False),
)
def _typed_coords_sc(
    crd_hbm, typ_hbm, na_hbm,
    outc_hbm, cnts_hbm, offs_hbm,
    typ_v0, typ_v1, crd_v0, crd_v1, out_v0, out_v1,
    enc_v, hst_v, off_v, na_v, co_v, of_v,
    sin0, sin1, sout0, sout1,
):
    typ_b = (typ_v0, typ_v1)
    crd_b = (crd_v0, crd_v1)
    out_b = (out_v0, out_v1)
    sin = (sin0, sin1)
    sout = (sout0, sout1)

    wid = lax.axis_index("c") * 16 + lax.axis_index("s")
    base = wid * SPW
    pltpu.sync_copy(na_hbm.at[pl.ds(base, SPW)], na_v)
    iota = lax.broadcasted_iota(jnp.int32, (LANES,), 0)
    zero_f = jnp.zeros((LANES,), jnp.float32)

    def issue_in(si, k):
        row = base + si
        pltpu.async_copy(typ_hbm.at[row], typ_b[k], sin[k])
        pltpu.async_copy(crd_hbm.at[row], crd_b[k], sin[k])

    def wait_in(si, k):
        row = base + si
        pltpu.make_async_copy(typ_hbm.at[row], typ_b[k], sin[k]).wait()
        pltpu.make_async_copy(crd_hbm.at[row], crd_b[k], sin[k]).wait()

    def compute_sample(si, k):
        typ_v, crd_v, out_v = typ_b[k], crd_b[k], out_b[k]
        na_sp = plsc.load_gather(na_v, [jnp.zeros((LANES,), jnp.int32) + si])

        @plsc.parallel_loop(0, NVR, unroll=8)
        def zero_hist(j):
            hst_v[pl.ds(j * LANES, LANES)] = jnp.zeros((LANES,), jnp.int32)

        @plsc.parallel_loop(0, NVR // 4)
        def pass_a(i):
            w = typ_v[pl.ds(i * LANES, LANES)]
            for q in range(4):
                j = q * (NVR // 4) + i
                t = (w >> (8 * q)) & 0xFF
                gi = j * LANES + iota
                t = jnp.where(gi < na_sp, t, NUM_TYPES)
                c1, lastm = plsc.scan_count(t)
                enc_v[pl.ds(j * LANES, LANES)] = t * LANES + (c1 - 1)
                plsc.store_scatter(hst_v, [j * LANES + t], c1, mask=lastm)

        def prefix(j, acc):
            sl = pl.ds(j * LANES, LANES)
            hv = hst_v[sl]
            hst_v[sl] = acc
            return acc + hv

        c = lax.fori_loop(0, NVR, prefix, jnp.zeros((LANES,), jnp.int32),
                          unroll=4)
        off = plsc.cumsum(c) - c
        off_v[...] = off
        dsti = si * NUM_TYPES + iota
        m11 = iota < NUM_TYPES
        plsc.store_scatter(co_v, [dsti], c, mask=m11)
        plsc.store_scatter(of_v, [dsti], off, mask=m11)

        @pl.when(si >= 2)
        def _():
            pltpu.make_async_copy(out_v, outc_hbm.at[base + si - 2],
                                  sout[k]).wait()

        @plsc.parallel_loop(0, NVR)
        def pass_b(j):
            sl = pl.ds(j * LANES, LANES)
            enc = enc_v[sl]
            t = enc >> 4
            pos = (plsc.load_gather(off_v, [t])
                   + plsc.load_gather(hst_v, [j * LANES + t])
                   + (enc & (LANES - 1)))
            src3 = (j * LANES) * 3 + iota * 3
            x = plsc.load_gather(crd_v, [src3])
            y = plsc.load_gather(crd_v, [src3 + 1])
            z = plsc.load_gather(crd_v, [src3 + 2])
            valid = t < NUM_TYPES
            x = jnp.where(valid, x, zero_f)
            y = jnp.where(valid, y, zero_f)
            z = jnp.where(valid, z, zero_f)
            d3 = pos * 3
            plsc.store_scatter(out_v, [d3], x)
            plsc.store_scatter(out_v, [d3 + 1], y)
            plsc.store_scatter(out_v, [d3 + 2], z)

        pltpu.async_copy(out_v, outc_hbm.at[base + si], sout[k])

    issue_in(0, 0)

    def pair_body(p, _):
        for k in (0, 1):
            si = p * 2 + k

            @pl.when(si + 1 < SPW)
            def _():
                issue_in(si + 1, 1 - k)

            wait_in(si, k)
            compute_sample(si, k)
        return 0

    lax.fori_loop(0, SPW // 2, pair_body, 0)
    pltpu.make_async_copy(out_b[0], outc_hbm.at[base + SPW - 2], sout[0]).wait()
    pltpu.make_async_copy(out_b[1], outc_hbm.at[base + SPW - 1], sout[1]).wait()
    pltpu.sync_copy(co_v, cnts_hbm.at[pl.ds(base * NUM_TYPES, SPW * NUM_TYPES)])
    pltpu.sync_copy(of_v, offs_hbm.at[pl.ds(base * NUM_TYPES, SPW * NUM_TYPES)])


def kernel(input_coords_cpu, input_resnames, input_atomnames, num_atoms):
    types_packed = _pack_types_tc(
        input_resnames.astype(jnp.int32), input_atomnames.astype(jnp.int32)
    )
    out_coords, counts_flat, offsets_flat = _typed_coords_sc(
        input_coords_cpu,
        types_packed,
        num_atoms.astype(jnp.int32),
    )
    return (
        out_coords,
        counts_flat.reshape(B, NUM_TYPES),
        offsets_flat.reshape(B, NUM_TYPES),
    )

# --- scband reference (transcript-rebuilt; emitter-appended) ---
"""Pipeline reference for scband-coords2-typed-coords-58841051955820 (READ-ONLY COPY).

The authoritative reference and input builder live on the scoring server;
editing this copy changes nothing except your own understanding.
"""

import jax, jax.numpy as jnp
import numpy as np

NUM_ATOM_TYPES = 11
B = 1024
M = 4096


def setup_inputs(seed: int = 0) -> dict:
    key = jax.random.key(seed)
    k1, k2, k3, k4 = jax.random.split(key, 4)
    input_coords_cpu = jax.random.normal(k1, (B, 3 * M), dtype=jnp.float32)
    input_resnames = jax.random.randint(k2, (B, M), 0, 21, dtype=jnp.int32)
    input_atomnames = jax.random.randint(k3, (B, M), 0, 38, dtype=jnp.int32)
    num_atoms = jax.random.randint(k4, (B,), 1, M + 1, dtype=jnp.int32)
    return {
        "input_coords_cpu": input_coords_cpu,
        "input_resnames": input_resnames,
        "input_atomnames": input_atomnames,
        "num_atoms": num_atoms,
    }


def reference(input_coords_cpu, input_resnames, input_atomnames, num_atoms):
    # Faithful jax port of Coords2TypedCoords: assign each atom an atom-type
    # (the C++ kernel maps (resname, atomname) strings -> one of 11 types; here
    # the mapping is a deterministic function of the integer-coded names),
    # then regroup coordinates so atoms of the same type are contiguous,
    # and emit per-type counts and exclusive-prefix offsets.
    b, three_m = input_coords_cpu.shape
    m = three_m // 3
    coords = input_coords_cpu.reshape(b, m, 3)

    atom_idx = jnp.arange(m, dtype=jnp.int32)
    valid = atom_idx[None, :] < num_atoms[:, None]

    # deterministic type assignment in [0, 11)
    types = (input_resnames.astype(jnp.int32) + input_atomnames.astype(jnp.int32)) % NUM_ATOM_TYPES
    # invalid (padding) atoms get sentinel type == NUM_ATOM_TYPES so they sort last
    types = jnp.where(valid, types, NUM_ATOM_TYPES)

    # stable sort atoms by type within each sample (jax sort is stable)
    order = jnp.argsort(types, axis=1)
    sorted_types = jnp.take_along_axis(types, order, axis=1)
    gathered = jnp.take_along_axis(coords, order[..., None], axis=1)
    gathered = jnp.where((sorted_types < NUM_ATOM_TYPES)[..., None], gathered, 0.0)
    output_coords = gathered.reshape(b, three_m)

    # histogram of atom types per sample (excluding padding sentinel)
    counts = jnp.sum(
        (types[:, :, None] == jnp.arange(NUM_ATOM_TYPES, dtype=jnp.int32)[None, None, :]),
        axis=1,
        dtype=jnp.int32,
    )
    csum = jnp.cumsum(counts, axis=1)
    offsets = jnp.concatenate(
        [jnp.zeros((b, 1), dtype=jnp.int32), csum[:, :-1].astype(jnp.int32)], axis=1
    )
    return output_coords, counts, offsets

if __name__ == "__main__":
    import jax
    _d = setup_inputs()
    print(jax.jit(kernel)(*tuple(_d.values())))

</pallas_src>

<mosaic_0001>
#map = affine_map<(d0, d1) -> (0, 0)>
#map1 = affine_map<(d0, d1) -> (0)>
module attributes {stable_mosaic.version = 14 : i64} {
  func.func @_typed_coords_sc(%arg0: i32, %arg1: i32, %arg2: memref<1024x12288xf32, #tpu.memory_space<hbm>>, %arg3: memref<1024x1024xi32, #tpu.memory_space<hbm>>, %arg4: memref<1024xi32, #tpu.memory_space<hbm>>, %arg5: memref<1024x12288xf32, #tpu.memory_space<hbm>>, %arg6: memref<11264xi32, #tpu.memory_space<hbm>>, %arg7: memref<11264xi32, #tpu.memory_space<hbm>>, %arg8: memref<1024xi32, #tpu.memory_space<vmem>>, %arg9: memref<1024xi32, #tpu.memory_space<vmem>>, %arg10: memref<12288xf32, #tpu.memory_space<vmem>>, %arg11: memref<12288xf32, #tpu.memory_space<vmem>>, %arg12: memref<12288xf32, #tpu.memory_space<vmem>>, %arg13: memref<12288xf32, #tpu.memory_space<vmem>>, %arg14: memref<4096xi32, #tpu.memory_space<vmem>>, %arg15: memref<4096xi32, #tpu.memory_space<vmem>>, %arg16: memref<16xi32, #tpu.memory_space<vmem>>, %arg17: memref<32xi32, #tpu.memory_space<vmem>>, %arg18: memref<352xi32, #tpu.memory_space<vmem>>, %arg19: memref<352xi32, #tpu.memory_space<vmem>>, %arg20: memref<!tpu.dma_semaphore, #tpu.memory_space<semaphore_mem>>, %arg21: memref<!tpu.dma_semaphore, #tpu.memory_space<semaphore_mem>>, %arg22: memref<!tpu.dma_semaphore, #tpu.memory_space<semaphore_mem>>, %arg23: memref<!tpu.dma_semaphore, #tpu.memory_space<semaphore_mem>>) attributes {dimension_semantics = [#tpu.dimension_semantics<core_parallel>, #tpu.dimension_semantics<subcore_parallel>], iteration_bounds = array<i64: 2, 16>, scalar_prefetch = 0 : i64, scratch_operands = 16 : i64, tpu.core_type = #tpu.core_type<sc_vector_subcore>, window_params = [{transform_indices = #map}, {transform_indices = #map}, {transform_indices = #map1}, {transform_indices = #map}, {transform_indices = #map1}, {transform_indices = #map1}]} {
    %mul3A = arith.constant 16 : i32
    %mul3A_0 = arith.muli %arg0, %mul3A : i32
    %add3A = arith.addi %mul3A_0, %arg1 : i32
    %mul3A_1 = arith.constant 32 : i32
    %mul3A_2 = arith.muli %add3A, %mul3A_1 : i32
    "tpu.region"() ({
      %run_scoped3A = tpu.sem_alloc : memref<!tpu.dma_semaphore, #tpu.memory_space<semaphore_mem>>
      %dma_start3A_45 = tpu.memref_slice %arg4[%mul3A_2] : memref<1024xi32, #tpu.memory_space<hbm>> -> memref<32xi32, #tpu.memory_space<hbm>>
      %dma_start3A_46 = tpu.memref_slice %arg4[%mul3A_2] : memref<1024xi32, #tpu.memory_space<hbm>> -> memref<32xi32, #tpu.memory_space<hbm>>
      tpu.enqueue_dma source(%dma_start3A_46 : memref<32xi32, #tpu.memory_space<hbm>>) target(%arg17 : memref<32xi32, #tpu.memory_space<vmem>>) target_semaphore(%run_scoped3A : memref<!tpu.dma_semaphore, #tpu.memory_space<semaphore_mem>>)
      %dma_wait3A_47 = tpu.memref_slice %arg4[%mul3A_2] : memref<1024xi32, #tpu.memory_space<hbm>> -> memref<32xi32, #tpu.memory_space<hbm>>
      %dma_wait3A_48 = tpu.memref_slice %arg4[%mul3A_2] : memref<1024xi32, #tpu.memory_space<hbm>> -> memref<32xi32, #tpu.memory_space<hbm>>
      tpu.wait_dma2 semaphore(%run_scoped3A : memref<!tpu.dma_semaphore, #tpu.memory_space<semaphore_mem>>) src(%dma_wait3A_48 : memref<32xi32, #tpu.memory_space<hbm>>) dst(%arg17 : memref<32xi32, #tpu.memory_space<vmem>>)
      tpu.yield
    }) : () -> ()
    %iota3A = tpu.iota {dimensions = array<i32: 0>} : vector<16xi32>
    %broadcast_in_dim3A = arith.constant 0.000000e+00 : f32
    %broadcast_in_dim3A_3 = vector.broadcast %broadcast_in_dim3A : f32 to vector<16xf32>
    %add3A_4 = arith.constant 0 : i32
    %add3A_5 = arith.addi %mul3A_2, %add3A_4 : i32
    %dma_start3A = arith.constant 0 : i32
    %dma_start3A_6 = tpu.memref_slice %arg3[%add3A_5, %dma_start3A] : memref<1024x1024xi32, #tpu.memory_space<hbm>> -> memref<1x1024xi32, #tpu.memory_space<hbm>>
    %dma_start3A_7 = tpu.memref_squeeze %dma_start3A_6 : memref<1x1024xi32, #tpu.memory_space<hbm>> -> memref<1024xi32, #tpu.memory_space<hbm>>
    %dma_start3A_8 = arith.constant 0 : i32
    %dma_start3A_9 = tpu.memref_slice %arg3[%add3A_5, %dma_start3A_8] : memref<1024x1024xi32, #tpu.memory_space<hbm>> -> memref<1x1024xi32, #tpu.memory_space<hbm>>
    %dma_start3A_10 = tpu.memref_squeeze %dma_start3A_9 : memref<1x1024xi32, #tpu.memory_space<hbm>> -> memref<1024xi32, #tpu.memory_space<hbm>>
    tpu.enqueue_dma source(%dma_start3A_10 : memref<1024xi32, #tpu.memory_space<hbm>>) target(%arg8 : memref<1024xi32, #tpu.memory_space<vmem>>) target_semaphore(%arg20 : memref<!tpu.dma_semaphore, #tpu.memory_space<semaphore_mem>>)
    %dma_start3A_11 = arith.constant 0 : i32
    %dma_start3A_12 = tpu.memref_slice %arg2[%add3A_5, %dma_start3A_11] : memref<1024x12288xf32, #tpu.memory_space<hbm>> -> memref<1x12288xf32, #tpu.memory_space<hbm>>
    %dma_start3A_13 = tpu.memref_squeeze %dma_start3A_12 : memref<1x12288xf32, #tpu.memory_space<hbm>> -> memref<12288xf32, #tpu.memory_space<hbm>>
    %dma_start3A_14 = arith.constant 0 : i32
    %dma_start3A_15 = tpu.memref_slice %arg2[%add3A_5, %dma_start3A_14] : memref<1024x12288xf32, #tpu.memory_space<hbm>> -> memref<1x12288xf32, #tpu.memory_space<hbm>>
    %dma_start3A_16 = tpu.memref_squeeze %dma_start3A_15 : memref<1x12288xf32, #tpu.memory_space<hbm>> -> memref<12288xf32, #tpu.memory_space<hbm>>
    tpu.enqueue_dma source(%dma_start3A_16 : memref<12288xf32, #tpu.memory_space<hbm>>) target(%arg10 : memref<12288xf32, #tpu.memory_space<vmem>>) target_semaphore(%arg20 : memref<!tpu.dma_semaphore, #tpu.memory_space<semaphore_mem>>)
    %scan3A = arith.constant 0 : i32
    %scan3A_17 = arith.constant 0 : i32
    %scan3A_18 = arith.constant 16 : i32
    %scan3A_19 = arith.addi %scan3A_17, %scan3A_18 : i32
    %scan3A_20 = arith.constant 1 : i32
    %scan3A_21 = scf.for %scan3A_45 = %scan3A_17 to %scan3A_19 step %scan3A_20 iter_args(%scan3A_46 = %scan3A) -> (i32)  : i32 {
      %mul3A_47 = arith.constant 2 : i32
      %mul3A_48 = arith.muli %scan3A_45, %mul3A_47 : i32
      %add3A_49 = arith.constant 0 : i32
      %add3A_50 = arith.addi %mul3A_48, %add3A_49 : i32
      %add3A_51 = arith.constant 1 : i32
      %add3A_52 = arith.addi %add3A_50, %add3A_51 : i32
      %lt3A = arith.constant 32 : i32
      %lt3A_53 = arith.cmpi slt, %add3A_52, %lt3A : i32
      %convert_element_type3A = arith.extui %lt3A_53 : i1 to i32
      %cond3A = arith.constant 0 : i32
      %cond3A_54 = arith.cmpi ne, %convert_element_type3A, %cond3A : i32
      scf.if %cond3A_54 {
        %add3A_182 = arith.constant 1 : i32
        %add3A_183 = arith.addi %add3A_50, %add3A_182 : i32
        %add3A_184 = arith.addi %mul3A_2, %add3A_183 : i32
        %dma_start3A_185 = arith.constant 0 : i32
        %dma_start3A_186 = tpu.memref_slice %arg3[%add3A_184, %dma_start3A_185] : memref<1024x1024xi32, #tpu.memory_space<hbm>> -> memref<1x1024xi32, #tpu.memory_space<hbm>>
        %dma_start3A_187 = tpu.memref_squeeze %dma_start3A_186 : memref<1x1024xi32, #tpu.memory_space<hbm>> -> memref<1024xi32, #tpu.memory_space<hbm>>
        %dma_start3A_188 = arith.constant 0 : i32
        %dma_start3A_189 = tpu.memref_slice %arg3[%add3A_184, %dma_start3A_188] : memref<1024x1024xi32, #tpu.memory_space<hbm>> -> memref<1x1024xi32, #tpu.memory_space<hbm>>
        %dma_start3A_190 = tpu.memref_squeeze %dma_start3A_189 : memref<1x1024xi32, #tpu.memory_space<hbm>> -> memref<1024xi32, #tpu.memory_space<hbm>>
        tpu.enqueue_dma source(%dma_start3A_190 : memref<1024xi32, #tpu.memory_space<hbm>>) target(%arg9 : memref<1024xi32, #tpu.memory_space<vmem>>) target_semaphore(%arg21 : memref<!tpu.dma_semaphore, #tpu.memory_space<semaphore_mem>>)
        %dma_start3A_191 = arith.constant 0 : i32
        %dma_start3A_192 = tpu.memref_slice %arg2[%add3A_184, %dma_start3A_191] : memref<1024x12288xf32, #tpu.memory_space<hbm>> -> memref<1x12288xf32, #tpu.memory_space<hbm>>
        %dma_start3A_193 = tpu.memref_squeeze %dma_start3A_192 : memref<1x12288xf32, #tpu.memory_space<hbm>> -> memref<12288xf32, #tpu.memory_space<hbm>>
        %dma_start3A_194 = arith.constant 0 : i32
        %dma_start3A_195 = tpu.memref_slice %arg2[%add3A_184, %dma_start3A_194] : memref<1024x12288xf32, #tpu.memory_space<hbm>> -> memref<1x12288xf32, #tpu.memory_space<hbm>>
        %dma_start3A_196 = tpu.memref_squeeze %dma_start3A_195 : memref<1x12288xf32, #tpu.memory_space<hbm>> -> memref<12288xf32, #tpu.memory_space<hbm>>
        tpu.enqueue_dma source(%dma_start3A_196 : memref<12288xf32, #tpu.memory_space<hbm>>) target(%arg11 : memref<12288xf32, #tpu.memory_space<vmem>>) target_semaphore(%arg21 : memref<!tpu.dma_semaphore, #tpu.memory_space<semaphore_mem>>)
      } else {
      }
      %add3A_55 = arith.addi %mul3A_2, %add3A_50 : i32
      %dma_wait3A_56 = arith.constant 0 : i32
      %dma_wait3A_57 = tpu.memref_slice %arg3[%add3A_55, %dma_wait3A_56] : memref<1024x1024xi32, #tpu.memory_space<hbm>> -> memref<1x1024xi32, #tpu.memory_space<hbm>>
      %dma_wait3A_58 = tpu.memref_squeeze %dma_wait3A_57 : memref<1x1024xi32, #tpu.memory_space<hbm>> -> memref<1024xi32, #tpu.memory_space<hbm>>
      %dma_wait3A_59 = arith.constant 0 : i32
      %dma_wait3A_60 = tpu.memref_slice %arg3[%add3A_55, %dma_wait3A_59] : memref<1024x1024xi32, #tpu.memory_space<hbm>> -> memref<1x1024xi32, #tpu.memory_space<hbm>>
      %dma_wait3A_61 = tpu.memref_squeeze %dma_wait3A_60 : memref<1x1024xi32, #tpu.memory_space<hbm>> -> memref<1024xi32, #tpu.memory_space<hbm>>
      tpu.wait_dma2 semaphore(%arg20 : memref<!tpu.dma_semaphore, #tpu.memory_space<semaphore_mem>>) src(%dma_wait3A_61 : memref<1024xi32, #tpu.memory_space<hbm>>) dst(%arg8 : memref<1024xi32, #tpu.memory_space<vmem>>)
      %dma_wait3A_62 = arith.constant 0 : i32
      %dma_wait3A_63 = tpu.memref_slice %arg2[%add3A_55, %dma_wait3A_62] : memref<1024x12288xf32, #tpu.memory_space<hbm>> -> memref<1x12288xf32, #tpu.memory_space<hbm>>
      %dma_wait3A_64 = tpu.memref_squeeze %dma_wait3A_63 : memref<1x12288xf32, #tpu.memory_space<hbm>> -> memref<12288xf32, #tpu.memory_space<hbm>>
      %dma_wait3A_65 = arith.constant 0 : i32
      %dma_wait3A_66 = tpu.memref_slice %arg2[%add3A_55, %dma_wait3A_65] : memref<1024x12288xf32, #tpu.memory_space<hbm>> -> memref<1x12288xf32, #tpu.memory_space<hbm>>
      %dma_wait3A_67 = tpu.memref_squeeze %dma_wait3A_66 : memref<1x12288xf32, #tpu.memory_space<hbm>> -> memref<12288xf32, #tpu.memory_space<hbm>>
      tpu.wait_dma2 semaphore(%arg20 : memref<!tpu.dma_semaphore, #tpu.memory_space<semaphore_mem>>) src(%dma_wait3A_67 : memref<12288xf32, #tpu.memory_space<hbm>>) dst(%arg10 : memref<12288xf32, #tpu.memory_space<vmem>>)
      %broadcast_in_dim3A_68 = arith.constant 0 : i32
      %broadcast_in_dim3A_69 = vector.broadcast %broadcast_in_dim3A_68 : i32 to vector<16xi32>
      %add3A_70 = vector.broadcast %add3A_50 : i32 to vector<16xi32>
      %add3A_71 = arith.addi %broadcast_in_dim3A_69, %add3A_70 : vector<16xi32>
      %gather3A = tpu.vector_load_idx %arg17[%add3A_71] : memref<32xi32, #tpu.memory_space<vmem>>[vector<16xi32>], vector<16xi32>,
      %parallel_loop3A = arith.constant 0 : i32
      %parallel_loop3A_72 = arith.constant 256 : i32
      %parallel_loop3A_73 = arith.constant 1 : i32
      scf.for %parallel_loop3A_182 = %parallel_loop3A to %parallel_loop3A_72 step %parallel_loop3A_73  : i32 {
        %parallel_loop3A_183 = arith.constant 0 : i32
        %parallel_loop3A_184 = vector.broadcast %parallel_loop3A_183 : i32 to vector<16xi32>
        %parallel_loop3A_185 = arith.constant 16 : i32
        %parallel_loop3A_186 = arith.muli %parallel_loop3A_182, %parallel_loop3A_185 : i32
        %parallel_loop3A_187 = arith.index_cast %parallel_loop3A_186 : i32 to index
        %parallel_loop3A_188 = tpu.vector_load %arg15[%parallel_loop3A_187] {strides = array<i32>} : memref<4096xi32, #tpu.memory_space<vmem>>, vector<16xi32>,
        tpu.vector_store %arg15[%parallel_loop3A_187], %parallel_loop3A_184 {strides = array<i32>} : memref<4096xi32, #tpu.memory_space<vmem>>, vector<16xi32>,
      } {sc.loop_unroll_factor = 8 : i64, sc.parallel_access}
      %parallel_loop3A_74 = arith.constant 0 : i32
      %parallel_loop3A_75 = arith.constant 64 : i32
      %parallel_loop3A_76 = arith.constant 1 : i32
      scf.for %parallel_loop3A_182 = %parallel_loop3A_74 to %parallel_loop3A_75 step %parallel_loop3A_76  : i32 {
        %parallel_loop3A_183 = arith.constant 16 : i32
        %parallel_loop3A_184 = arith.muli %parallel_loop3A_182, %parallel_loop3A_183 : i32
        %parallel_loop3A_185 = arith.index_cast %parallel_loop3A_184 : i32 to index
        %parallel_loop3A_186 = tpu.vector_load %arg8[%parallel_loop3A_185] {strides = array<i32>} : memref<1024xi32, #tpu.memory_space<vmem>>, vector<16xi32>,
        %parallel_loop3A_187 = arith.constant 0 : i32
        %parallel_loop3A_188 = arith.addi %parallel_loop3A_187, %parallel_loop3A_182 : i32
        %parallel_loop3A_189 = arith.constant 0 : i32
        %parallel_loop3A_190 = vector.broadcast %parallel_loop3A_189 : i32 to vector<16xi32>
        %parallel_loop3A_191 = arith.shrsi %parallel_loop3A_186, %parallel_loop3A_190 : vector<16xi32>
        %parallel_loop3A_192 = arith.constant 255 : i32
        %parallel_loop3A_193 = vector.broadcast %parallel_loop3A_192 : i32 to vector<16xi32>
        %parallel_loop3A_194 = arith.andi %parallel_loop3A_191, %parallel_loop3A_193 : vector<16xi32>
        %parallel_loop3A_195 = arith.constant 16 : i32
        %parallel_loop3A_196 = arith.muli %parallel_loop3A_188, %parallel_loop3A_195 : i32
        %parallel_loop3A_197 = vector.broadcast %parallel_loop3A_196 : i32 to vector<16xi32>
        %parallel_loop3A_198 = arith.addi %parallel_loop3A_197, %iota3A : vector<16xi32>
        %parallel_loop3A_199 = arith.cmpi slt, %parallel_loop3A_198, %gather3A : vector<16xi32>
        %parallel_loop3A_200 = arith.constant 11 : i32
        %parallel_loop3A_201 = vector.broadcast %parallel_loop3A_200 : i32 to vector<16xi32>
        %parallel_loop3A_202 = arith.select %parallel_loop3A_199, %parallel_loop3A_194, %parallel_loop3A_201 : vector<16xi1>, vector<16xi32>
        %parallel_loop3A_203 = arith.constant true
        %parallel_loop3A_204 = vector.broadcast %parallel_loop3A_203 : i1 to vector<16xi1>
        %parallel_loop3A_205, %parallel_loop3A_206 = tpu.scan_count mask(%parallel_loop3A_204 : vector<16xi1>) value(%parallel_loop3A_202 : vector<16xi32>) : vector<16xi1>, vector<16xi32>
        %parallel_loop3A_207 = arith.constant 16 : i32
        %parallel_loop3A_208 = vector.broadcast %parallel_loop3A_207 : i32 to vector<16xi32>
        %parallel_loop3A_209 = arith.muli %parallel_loop3A_202, %parallel_loop3A_208 : vector<16xi32>
        %parallel_loop3A_210 = arith.constant 1 : i32
        %parallel_loop3A_211 = vector.broadcast %parallel_loop3A_210 : i32 to vector<16xi32>
        %parallel_loop3A_212 = arith.subi %parallel_loop3A_206, %parallel_loop3A_211 : vector<16xi32>
        %parallel_loop3A_213 = arith.addi %parallel_loop3A_209, %parallel_loop3A_212 : vector<16xi32>
        %parallel_loop3A_214 = arith.constant 16 : i32
        %parallel_loop3A_215 = arith.muli %parallel_loop3A_188, %parallel_loop3A_214 : i32
        %parallel_loop3A_216 = arith.index_cast %parallel_loop3A_215 : i32 to index
        %parallel_loop3A_217 = tpu.vector_load %arg14[%parallel_loop3A_216] {strides = array<i32>} : memref<4096xi32, #tpu.memory_space<vmem>>, vector<16xi32>,
        tpu.vector_store %arg14[%parallel_loop3A_216], %parallel_loop3A_213 {strides = array<i32>} : memref<4096xi32, #tpu.memory_space<vmem>>, vector<16xi32>,
        %parallel_loop3A_218 = arith.constant 16 : i32
        %parallel_loop3A_219 = arith.muli %parallel_loop3A_188, %parallel_loop3A_218 : i32
        %parallel_loop3A_220 = vector.broadcast %parallel_loop3A_219 : i32 to vector<16xi32>
        %parallel_loop3A_221 = arith.addi %parallel_loop3A_220, %parallel_loop3A_202 : vector<16xi32>
        tpu.vector_store_idx %arg15[%parallel_loop3A_221], %parallel_loop3A_206 masked %parallel_loop3A_205 : memref<4096xi32, #tpu.memory_space<vmem>>[vector<16xi32>], vector<16xi32>, vector<16xi1>
        %parallel_loop3A_222 = arith.constant 64 : i32
        %parallel_loop3A_223 = arith.addi %parallel_loop3A_222, %parallel_loop3A_182 : i32
        %parallel_loop3A_224 = arith.constant 8 : i32
        %parallel_loop3A_225 = vector.broadcast %parallel_loop3A_224 : i32 to vector<16xi32>
        %parallel_loop3A_226 = arith.shrsi %parallel_loop3A_186, %parallel_loop3A_225 : vector<16xi32>
        %parallel_loop3A_227 = arith.constant 255 : i32
        %parallel_loop3A_228 = vector.broadcast %parallel_loop3A_227 : i32 to vector<16xi32>
        %parallel_loop3A_229 = arith.andi %parallel_loop3A_226, %parallel_loop3A_228 : vector<16xi32>
        %parallel_loop3A_230 = arith.constant 16 : i32
        %parallel_loop3A_231 = arith.muli %parallel_loop3A_223, %parallel_loop3A_230 : i32
        %parallel_loop3A_232 = vector.broadcast %parallel_loop3A_231 : i32 to vector<16xi32>
        %parallel_loop3A_233 = arith.addi %parallel_loop3A_232, %iota3A : vector<16xi32>
        %parallel_loop3A_234 = arith.cmpi slt, %parallel_loop3A_233, %gather3A : vector<16xi32>
        %parallel_loop3A_235 = arith.constant 11 : i32
        %parallel_loop3A_236 = vector.broadcast %parallel_loop3A_235 : i32 to vector<16xi32>
        %parallel_loop3A_237 = arith.select %parallel_loop3A_234, %parallel_loop3A_229, %parallel_loop3A_236 : vector<16xi1>, vector<16xi32>
        %parallel_loop3A_238 = arith.constant true
        %parallel_loop3A_239 = vector.broadcast %parallel_loop3A_238 : i1 to vector<16xi1>
        %parallel_loop3A_240, %parallel_loop3A_241 = tpu.scan_count mask(%parallel_loop3A_239 : vector<16xi1>) value(%parallel_loop3A_237 : vector<16xi32>) : vector<16xi1>, vector<16xi32>
        %parallel_loop3A_242 = arith.constant 16 : i32
        %parallel_loop3A_243 = vector.broadcast %parallel_loop3A_242 : i32 to vector<16xi32>
        %parallel_loop3A_244 = arith.muli %parallel_loop3A_237, %parallel_loop3A_243 : vector<16xi32>
        %parallel_loop3A_245 = arith.constant 1 : i32
        %parallel_loop3A_246 = vector.broadcast %parallel_loop3A_245 : i32 to vector<16xi32>
        %parallel_loop3A_247 = arith.subi %parallel_loop3A_241, %parallel_loop3A_246 : vector<16xi32>
        %parallel_loop3A_248 = arith.addi %parallel_loop3A_244, %parallel_loop3A_247 : vector<16xi32>
        %parallel_loop3A_249 = arith.constant 16 : i32
        %parallel_loop3A_250 = arith.muli %parallel_loop3A_223, %parallel_loop3A_249 : i32
        %parallel_loop3A_251 = arith.index_cast %parallel_loop3A_250 : i32 to index
        %parallel_loop3A_252 = tpu.vector_load %arg14[%parallel_loop3A_251] {strides = array<i32>} : memref<4096xi32, #tpu.memory_space<vmem>>, vector<16xi32>,
        tpu.vector_store %arg14[%parallel_loop3A_251], %parallel_loop3A_248 {strides = array<i32>} : memref<4096xi32, #tpu.memory_space<vmem>>, vector<16xi32>,
        %parallel_loop3A_253 = arith.constant 16 : i32
        %parallel_loop3A_254 = arith.muli %parallel_loop3A_223, %parallel_loop3A_253 : i32
        %parallel_loop3A_255 = vector.broadcast %parallel_loop3A_254 : i32 to vector<16xi32>
        %parallel_loop3A_256 = arith.addi %parallel_loop3A_255, %parallel_loop3A_237 : vector<16xi32>
        tpu.vector_store_idx %arg15[%parallel_loop3A_256], %parallel_loop3A_241 masked %parallel_loop3A_240 : memref<4096xi32, #tpu.memory_space<vmem>>[vector<16xi32>], vector<16xi32>, vector<16xi1>
        %parallel_loop3A_257 = arith.constant 128 : i32
        %parallel_loop3A_258 = arith.addi %parallel_loop3A_257, %parallel_loop3A_182 : i32
        %parallel_loop3A_259 = arith.constant 16 : i32
        %parallel_loop3A_260 = vector.broadcast %parallel_loop3A_259 : i32 to vector<16xi32>
        %parallel_loop3A_261 = arith.shrsi %parallel_loop3A_186, %parallel_loop3A_260 : vector<16xi32>
        %parallel_loop3A_262 = arith.constant 255 : i32
        %parallel_loop3A_263 = vector.broadcast %parallel_loop3A_262 : i32 to vector<16xi32>
        %parallel_loop3A_264 = arith.andi %parallel_loop3A_261, %parallel_loop3A_263 : vector<16xi32>
        %parallel_loop3A_265 = arith.constant 16 : i32
        %parallel_loop3A_266 = arith.muli %parallel_loop3A_258, %parallel_loop3A_265 : i32
        %parallel_loop3A_267 = vector.broadcast %parallel_loop3A_266 : i32 to vector<16xi32>
        %parallel_loop3A_268 = arith.addi %parallel_loop3A_267, %iota3A : vector<16xi32>
        %parallel_loop3A_269 = arith.cmpi slt, %parallel_loop3A_268, %gather3A : vector<16xi32>
        %parallel_loop3A_270 = arith.constant 11 : i32
        %parallel_loop3A_271 = vector.broadcast %parallel_loop3A_270 : i32 to vector<16xi32>
        %parallel_loop3A_272 = arith.select %parallel_loop3A_269, %parallel_loop3A_264, %parallel_loop3A_271 : vector<16xi1>, vector<16xi32>
        %parallel_loop3A_273 = arith.constant true
        %parallel_loop3A_274 = vector.broadcast %parallel_loop3A_273 : i1 to vector<16xi1>
        %parallel_loop3A_275, %parallel_loop3A_276 = tpu.scan_count mask(%parallel_loop3A_274 : vector<16xi1>) value(%parallel_loop3A_272 : vector<16xi32>) : vector<16xi1>, vector<16xi32>
        %parallel_loop3A_277 = arith.constant 16 : i32
        %parallel_loop3A_278 = vector.broadcast %parallel_loop3A_277 : i32 to vector<16xi32>
        %parallel_loop3A_279 = arith.muli %parallel_loop3A_272, %parallel_loop3A_278 : vector<16xi32>
        %parallel_loop3A_280 = arith.constant 1 : i32
        %parallel_loop3A_281 = vector.broadcast %parallel_loop3A_280 : i32 to vector<16xi32>
        %parallel_loop3A_282 = arith.subi %parallel_loop3A_276, %parallel_loop3A_281 : vector<16xi32>
        %parallel_loop3A_283 = arith.addi %parallel_loop3A_279, %parallel_loop3A_282 : vector<16xi32>
        %parallel_loop3A_284 = arith.constant 16 : i32
        %parallel_loop3A_285 = arith.muli %parallel_loop3A_258, %parallel_loop3A_284 : i32
        %parallel_loop3A_286 = arith.index_cast %parallel_loop3A_285 : i32 to index
        %parallel_loop3A_287 = tpu.vector_load %arg14[%parallel_loop3A_286] {strides = array<i32>} : memref<4096xi32, #tpu.memory_space<vmem>>, vector<16xi32>,
        tpu.vector_store %arg14[%parallel_loop3A_286], %parallel_loop3A_283 {strides = array<i32>} : memref<4096xi32, #tpu.memory_space<vmem>>, vector<16xi32>,
        %parallel_loop3A_288 = arith.constant 16 : i32
        %parallel_loop3A_289 = arith.muli %parallel_loop3A_258, %parallel_loop3A_288 : i32
        %parallel_loop3A_290 = vector.broadcast %parallel_loop3A_289 : i32 to vector<16xi32>
        %parallel_loop3A_291 = arith.addi %parallel_loop3A_290, %parallel_loop3A_272 : vector<16xi32>
        tpu.vector_store_idx %arg15[%parallel_loop3A_291], %parallel_loop3A_276 masked %parallel_loop3A_275 : memref<4096xi32, #tpu.memory_space<vmem>>[vector<16xi32>], vector<16xi32>, vector<16xi1>
        %parallel_loop3A_292 = arith.constant 192 : i32
        %parallel_loop3A_293 = arith.addi %parallel_loop3A_292, %parallel_loop3A_182 : i32
        %parallel_loop3A_294 = arith.constant 24 : i32
        %parallel_loop3A_295 = vector.broadcast %parallel_loop3A_294 : i32 to vector<16xi32>
        %parallel_loop3A_296 = arith.shrsi %parallel_loop3A_186, %parallel_loop3A_295 : vector<16xi32>
        %parallel_loop3A_297 = arith.constant 255 : i32
        %parallel_loop3A_298 = vector.broadcast %parallel_loop3A_297 : i32 to vector<16xi32>
        %parallel_loop3A_299 = arith.andi %parallel_loop3A_296, %parallel_loop3A_298 : vector<16xi32>
        %parallel_loop3A_300 = arith.constant 16 : i32
        %parallel_loop3A_301 = arith.muli %parallel_loop3A_293, %parallel_loop3A_300 : i32
        %parallel_loop3A_302 = vector.broadcast %parallel_loop3A_301 : i32 to vector<16xi32>
        %parallel_loop3A_303 = arith.addi %parallel_loop3A_302, %iota3A : vector<16xi32>
        %parallel_loop3A_304 = arith.cmpi slt, %parallel_loop3A_303, %gather3A : vector<16xi32>
        %parallel_loop3A_305 = arith.constant 11 : i32
        %parallel_loop3A_306 = vector.broadcast %parallel_loop3A_305 : i32 to vector<16xi32>
        %parallel_loop3A_307 = arith.select %parallel_loop3A_304, %parallel_loop3A_299, %parallel_loop3A_306 : vector<16xi1>, vector<16xi32>
        %parallel_loop3A_308 = arith.constant true
        %parallel_loop3A_309 = vector.broadcast %parallel_loop3A_308 : i1 to vector<16xi1>
        %parallel_loop3A_310, %parallel_loop3A_311 = tpu.scan_count mask(%parallel_loop3A_309 : vector<16xi1>) value(%parallel_loop3A_307 : vector<16xi32>) : vector<16xi1>, vector<16xi32>
        %parallel_loop3A_312 = arith.constant 16 : i32
        %parallel_loop3A_313 = vector.broadcast %parallel_loop3A_312 : i32 to vector<16xi32>
        %parallel_loop3A_314 = arith.muli %parallel_loop3A_307, %parallel_loop3A_313 : vector<16xi32>
        %parallel_loop3A_315 = arith.constant 1 : i32
        %parallel_loop3A_316 = vector.broadcast %parallel_loop3A_315 : i32 to vector<16xi32>
        %parallel_loop3A_317 = arith.subi %parallel_loop3A_311, %parallel_loop3A_316 : vector<16xi32>
        %parallel_loop3A_318 = arith.addi %parallel_loop3A_314, %parallel_loop3A_317 : vector<16xi32>
        %parallel_loop3A_319 = arith.constant 16 : i32
        %parallel_loop3A_320 = arith.muli %parallel_loop3A_293, %parallel_loop3A_319 : i32
        %parallel_loop3A_321 = arith.index_cast %parallel_loop3A_320 : i32 to index
        %parallel_loop3A_322 = tpu.vector_load %arg14[%parallel_loop3A_321] {strides = array<i32>} : memref<4096xi32, #tpu.memory_space<vmem>>, vector<16xi32>,
        tpu.vector_store %arg14[%parallel_loop3A_321], %parallel_loop3A_318 {strides = array<i32>} : memref<4096xi32, #tpu.memory_space<vmem>>, vector<16xi32>,
        %parallel_loop3A_323 = arith.constant 16 : i32
        %parallel_loop3A_324 = arith.muli %parallel_loop3A_293, %parallel_loop3A_323 : i32
        %parallel_loop3A_325 = vector.broadcast %parallel_loop3A_324 : i32 to vector<16xi32>
        %parallel_loop3A_326 = arith.addi %parallel_loop3A_325, %parallel_loop3A_307 : vector<16xi32>
        tpu.vector_store_idx %arg15[%parallel_loop3A_326], %parallel_loop3A_311 masked %parallel_loop3A_310 : memref<4096xi32, #tpu.memory_space<vmem>>[vector<16xi32>], vector<16xi32>, vector<16xi1>
      } {sc.loop_unroll_factor = 1 : i64, sc.parallel_access}
      %broadcast_in_dim3A_77 = arith.constant 0 : i32
      %broadcast_in_dim3A_78 = vector.broadcast %broadcast_in_dim3A_77 : i32 to vector<16xi32>
      %scan3A_79 = arith.constant 0 : i32
      %scan3A_80 = arith.constant 256 : i32
      %scan3A_81 = arith.addi %scan3A_79, %scan3A_80 : i32
      %scan3A_82 = arith.constant 4 : i32
      %scan3A_83 = scf.for %scan3A_182 = %scan3A_79 to %scan3A_81 step %scan3A_82 iter_args(%scan3A_183 = %broadcast_in_dim3A_78) -> (vector<16xi32>)  : i32 {
        %mul3A_184 = arith.constant 16 : i32
        %mul3A_185 = arith.muli %scan3A_182, %mul3A_184 : i32
        %get3A = arith.index_cast %mul3A_185 : i32 to index
        %get3A_186 = tpu.vector_load %arg15[%get3A] {strides = array<i32>} : memref<4096xi32, #tpu.memory_space<vmem>>, vector<16xi32>,
        %swap3A_187 = arith.index_cast %mul3A_185 : i32 to index
        %swap3A_188 = tpu.vector_load %arg15[%swap3A_187] {strides = array<i32>} : memref<4096xi32, #tpu.memory_space<vmem>>, vector<16xi32>,
        tpu.vector_store %arg15[%swap3A_187], %scan3A_183 {strides = array<i32>} : memref<4096xi32, #tpu.memory_space<vmem>>, vector<16xi32>,
        %add3A_189 = arith.addi %scan3A_183, %get3A_186 : vector<16xi32>
        %scan3A_190 = arith.constant 1 : i32
        %scan3A_191 = arith.addi %scan3A_182, %scan3A_190 : i32
        %mul3A_192 = arith.constant 16 : i32
        %mul3A_193 = arith.muli %scan3A_191, %mul3A_192 : i32
        %get3A_194 = arith.index_cast %mul3A_193 : i32 to index
        %get3A_195 = tpu.vector_load %arg15[%get3A_194] {strides = array<i32>} : memref<4096xi32, #tpu.memory_space<vmem>>, vector<16xi32>,
        %swap3A_196 = arith.index_cast %mul3A_193 : i32 to index
        %swap3A_197 = tpu.vector_load %arg15[%swap3A_196] {strides = array<i32>} : memref<4096xi32, #tpu.memory_space<vmem>>, vector<16xi32>,
        tpu.vector_store %arg15[%swap3A_196], %add3A_189 {strides = array<i32>} : memref<4096xi32, #tpu.memory_space<vmem>>, vector<16xi32>,
        %add3A_198 = arith.addi %add3A_189, %get3A_195 : vector<16xi32>
        %scan3A_199 = arith.constant 2 : i32
        %scan3A_200 = arith.addi %scan3A_182, %scan3A_199 : i32
        %mul3A_201 = arith.constant 16 : i32
        %mul3A_202 = arith.muli %scan3A_200, %mul3A_201 : i32
        %get3A_203 = arith.index_cast %mul3A_202 : i32 to index
        %get3A_204 = tpu.vector_load %arg15[%get3A_203] {strides = array<i32>} : memref<4096xi32, #tpu.memory_space<vmem>>, vector<16xi32>,
        %swap3A_205 = arith.index_cast %mul3A_202 : i32 to index
        %swap3A_206 = tpu.vector_load %arg15[%swap3A_205] {strides = array<i32>} : memref<4096xi32, #tpu.memory_space<vmem>>, vector<16xi32>,
        tpu.vector_store %arg15[%swap3A_205], %add3A_198 {strides = array<i32>} : memref<4096xi32, #tpu.memory_space<vmem>>, vector<16xi32>,
        %add3A_207 = arith.addi %add3A_198, %get3A_204 : vector<16xi32>
        %scan3A_208 = arith.constant 3 : i32
        %scan3A_209 = arith.addi %scan3A_182, %scan3A_208 : i32
        %mul3A_210 = arith.constant 16 : i32
        %mul3A_211 = arith.muli %scan3A_209, %mul3A_210 : i32
        %get3A_212 = arith.index_cast %mul3A_211 : i32 to index
        %get3A_213 = tpu.vector_load %arg15[%get3A_212] {strides = array<i32>} : memref<4096xi32, #tpu.memory_space<vmem>>, vector<16xi32>,
        %swap3A_214 = arith.index_cast %mul3A_211 : i32 to index
        %swap3A_215 = tpu.vector_load %arg15[%swap3A_214] {strides = array<i32>} : memref<4096xi32, #tpu.memory_space<vmem>>, vector<16xi32>,
        tpu.vector_store %arg15[%swap3A_214], %add3A_207 {strides = array<i32>} : memref<4096xi32, #tpu.memory_space<vmem>>, vector<16xi32>,
        %add3A_216 = arith.addi %add3A_207, %get3A_213 : vector<16xi32>
        scf.yield %add3A_216 : vector<16xi32>
      }
      %scan3A_84 = arith.constant 256 : i32
      %broadcast_in_dim3A_85 = arith.constant true
      %broadcast_in_dim3A_86 = vector.broadcast %broadcast_in_dim3A_85 : i1 to vector<16xi1>
      %masked_cumsum3A = tpu.scan <sum>, %scan3A_83 masked %broadcast_in_dim3A_86 : vector<16xi32>, vector<16xi1> -> vector<16xi32>
      %sub3A_87 = arith.subi %masked_cumsum3A, %scan3A_83 : vector<16xi32>
      %swap3A = arith.constant 0 : index
      %swap3A_88 = tpu.vector_load %arg16[%swap3A] {strides = array<i32>} : memref<16xi32, #tpu.memory_space<vmem>>, vector<16xi32>,
      tpu.vector_store %arg16[%swap3A], %sub3A_87 {strides = array<i32>} : memref<16xi32, #tpu.memory_space<vmem>>, vector<16xi32>,
      %mul3A_89 = arith.constant 11 : i32
      %mul3A_90 = arith.muli %add3A_50, %mul3A_89 : i32
      %add3A_91 = vector.broadcast %mul3A_90 : i32 to vector<16xi32>
      %add3A_92 = arith.addi %add3A_91, %iota3A : vector<16xi32>
      %lt3A_93 = arith.constant 11 : i32
      %lt3A_94 = vector.broadcast %lt3A_93 : i32 to vector<16xi32>
      %lt3A_95 = arith.cmpi slt, %iota3A, %lt3A_94 : vector<16xi32>
      tpu.vector_store_idx %arg18[%add3A_92], %scan3A_83 masked %lt3A_95 : memref<352xi32, #tpu.memory_space<vmem>>[vector<16xi32>], vector<16xi32>, vector<16xi1>
      tpu.vector_store_idx %arg19[%add3A_92], %sub3A_87 masked %lt3A_95 : memref<352xi32, #tpu.memory_space<vmem>>[vector<16xi32>], vector<16xi32>, vector<16xi1>
      %ge3A = arith.constant 2 : i32
      %ge3A_96 = arith.cmpi sge, %add3A_50, %ge3A : i32
      %convert_element_type3A_97 = arith.extui %ge3A_96 : i1 to i32
      %cond3A_98 = arith.constant 0 : i32
      %cond3A_99 = arith.cmpi ne, %convert_element_type3A_97, %cond3A_98 : i32
      scf.if %cond3A_99 {
        %add3A_182 = arith.addi %mul3A_2, %add3A_50 : i32
        %sub3A_183 = arith.constant 2 : i32
        %sub3A_184 = arith.subi %add3A_182, %sub3A_183 : i32
        %dma_wait3A_185 = arith.constant 0 : i32
        %dma_wait3A_186 = tpu.memref_slice %arg5[%sub3A_184, %dma_wait3A_185] : memref<1024x12288xf32, #tpu.memory_space<hbm>> -> memref<1x12288xf32, #tpu.memory_space<hbm>>
        %dma_wait3A_187 = tpu.memref_squeeze %dma_wait3A_186 : memref<1x12288xf32, #tpu.memory_space<hbm>> -> memref<12288xf32, #tpu.memory_space<hbm>>
        %dma_wait3A_188 = arith.constant 0 : i32
        %dma_wait3A_189 = tpu.memref_slice %arg5[%sub3A_184, %dma_wait3A_188] : memref<1024x12288xf32, #tpu.memory_space<hbm>> -> memref<1x12288xf32, #tpu.memory_space<hbm>>
        %dma_wait3A_190 = tpu.memref_squeeze %dma_wait3A_189 : memref<1x12288xf32, #tpu.memory_space<hbm>> -> memref<12288xf32, #tpu.memory_space<hbm>>
        tpu.wait_dma2 semaphore(%arg22 : memref<!tpu.dma_semaphore, #tpu.memory_space<semaphore_mem>>) src(%arg12 : memref<12288xf32, #tpu.memory_space<vmem>>) dst(%dma_wait3A_190 : memref<12288xf32, #tpu.memory_space<hbm>>)
      } else {
      }
      %parallel_loop3A_100 = arith.constant 0 : i32
      %parallel_loop3A_101 = arith.constant 256 : i32
      %parallel_loop3A_102 = arith.constant 1 : i32
      scf.for %parallel_loop3A_182 = %parallel_loop3A_100 to %parallel_loop3A_101 step %parallel_loop3A_102  : i32 {
        %parallel_loop3A_183 = arith.constant 16 : i32
        %parallel_loop3A_184 = arith.muli %parallel_loop3A_182, %parallel_loop3A_183 : i32
        %parallel_loop3A_185 = arith.index_cast %parallel_loop3A_184 : i32 to index
        %parallel_loop3A_186 = tpu.vector_load %arg14[%parallel_loop3A_185] {strides = array<i32>} : memref<4096xi32, #tpu.memory_space<vmem>>, vector<16xi32>,
        %parallel_loop3A_187 = arith.constant 4 : i32
        %parallel_loop3A_188 = vector.broadcast %parallel_loop3A_187 : i32 to vector<16xi32>
        %parallel_loop3A_189 = arith.shrsi %parallel_loop3A_186, %parallel_loop3A_188 : vector<16xi32>
        %parallel_loop3A_190 = tpu.vector_load_idx %arg16[%parallel_loop3A_189] : memref<16xi32, #tpu.memory_space<vmem>>[vector<16xi32>], vector<16xi32>,
        %parallel_loop3A_191 = arith.constant 16 : i32
        %parallel_loop3A_192 = arith.muli %parallel_loop3A_182, %parallel_loop3A_191 : i32
        %parallel_loop3A_193 = vector.broadcast %parallel_loop3A_192 : i32 to vector<16xi32>
        %parallel_loop3A_194 = arith.addi %parallel_loop3A_193, %parallel_loop3A_189 : vector<16xi32>
        %parallel_loop3A_195 = tpu.vector_load_idx %arg15[%parallel_loop3A_194] : memref<4096xi32, #tpu.memory_space<vmem>>[vector<16xi32>], vector<16xi32>,
        %parallel_loop3A_196 = arith.addi %parallel_loop3A_190, %parallel_loop3A_195 : vector<16xi32>
        %parallel_loop3A_197 = arith.constant 15 : i32
        %parallel_loop3A_198 = vector.broadcast %parallel_loop3A_197 : i32 to vector<16xi32>
        %parallel_loop3A_199 = arith.andi %parallel_loop3A_186, %parallel_loop3A_198 : vector<16xi32>
        %parallel_loop3A_200 = arith.addi %parallel_loop3A_196, %parallel_loop3A_199 : vector<16xi32>
        %parallel_loop3A_201 = arith.constant 16 : i32
        %parallel_loop3A_202 = arith.muli %parallel_loop3A_182, %parallel_loop3A_201 : i32
        %parallel_loop3A_203 = arith.constant 3 : i32
        %parallel_loop3A_204 = arith.muli %parallel_loop3A_202, %parallel_loop3A_203 : i32
        %parallel_loop3A_205 = arith.constant 3 : i32
        %parallel_loop3A_206 = vector.broadcast %parallel_loop3A_205 : i32 to vector<16xi32>
        %parallel_loop3A_207 = arith.muli %iota3A, %parallel_loop3A_206 : vector<16xi32>
        %parallel_loop3A_208 = vector.broadcast %parallel_loop3A_204 : i32 to vector<16xi32>
        %parallel_loop3A_209 = arith.addi %parallel_loop3A_208, %parallel_loop3A_207 : vector<16xi32>
        %parallel_loop3A_210 = tpu.vector_load_idx %arg10[%parallel_loop3A_209] : memref<12288xf32, #tpu.memory_space<vmem>>[vector<16xi32>], vector<16xf32>,
        %parallel_loop3A_211 = arith.constant 1 : i32
        %parallel_loop3A_212 = vector.broadcast %parallel_loop3A_211 : i32 to vector<16xi32>
        %parallel_loop3A_213 = arith.addi %parallel_loop3A_209, %parallel_loop3A_212 : vector<16xi32>
        %parallel_loop3A_214 = tpu.vector_load_idx %arg10[%parallel_loop3A_213] : memref<12288xf32, #tpu.memory_space<vmem>>[vector<16xi32>], vector<16xf32>,
        %parallel_loop3A_215 = arith.constant 2 : i32
        %parallel_loop3A_216 = vector.broadcast %parallel_loop3A_215 : i32 to vector<16xi32>
        %parallel_loop3A_217 = arith.addi %parallel_loop3A_209, %parallel_loop3A_216 : vector<16xi32>
        %parallel_loop3A_218 = tpu.vector_load_idx %arg10[%parallel_loop3A_217] : memref<12288xf32, #tpu.memory_space<vmem>>[vector<16xi32>], vector<16xf32>,
        %parallel_loop3A_219 = arith.constant 11 : i32
        %parallel_loop3A_220 = vector.broadcast %parallel_loop3A_219 : i32 to vector<16xi32>
        %parallel_loop3A_221 = arith.cmpi slt, %parallel_loop3A_189, %parallel_loop3A_220 : vector<16xi32>
        %parallel_loop3A_222 = arith.select %parallel_loop3A_221, %parallel_loop3A_210, %broadcast_in_dim3A_3 : vector<16xi1>, vector<16xf32>
        %parallel_loop3A_223 = arith.select %parallel_loop3A_221, %parallel_loop3A_214, %broadcast_in_dim3A_3 : vector<16xi1>, vector<16xf32>
        %parallel_loop3A_224 = arith.select %parallel_loop3A_221, %parallel_loop3A_218, %broadcast_in_dim3A_3 : vector<16xi1>, vector<16xf32>
        %parallel_loop3A_225 = arith.constant 3 : i32
        %parallel_loop3A_226 = vector.broadcast %parallel_loop3A_225 : i32 to vector<16xi32>
        %parallel_loop3A_227 = arith.muli %parallel_loop3A_200, %parallel_loop3A_226 : vector<16xi32>
        tpu.vector_store_idx %arg12[%parallel_loop3A_227], %parallel_loop3A_222 : memref<12288xf32, #tpu.memory_space<vmem>>[vector<16xi32>], vector<16xf32>,
        %parallel_loop3A_228 = arith.constant 1 : i32
        %parallel_loop3A_229 = vector.broadcast %parallel_loop3A_228 : i32 to vector<16xi32>
        %parallel_loop3A_230 = arith.addi %parallel_loop3A_227, %parallel_loop3A_229 : vector<16xi32>
        tpu.vector_store_idx %arg12[%parallel_loop3A_230], %parallel_loop3A_223 : memref<12288xf32, #tpu.memory_space<vmem>>[vector<16xi32>], vector<16xf32>,
        %parallel_loop3A_231 = arith.constant 2 : i32
        %parallel_loop3A_232 = vector.broadcast %parallel_loop3A_231 : i32 to vector<16xi32>
        %parallel_loop3A_233 = arith.addi %parallel_loop3A_227, %parallel_loop3A_232 : vector<16xi32>
        tpu.vector_store_idx %arg12[%parallel_loop3A_233], %parallel_loop3A_224 : memref<12288xf32, #tpu.memory_space<vmem>>[vector<16xi32>], vector<16xf32>,
      } {sc.loop_unroll_factor = 1 : i64, sc.parallel_access}
      %add3A_103 = arith.addi %mul3A_2, %add3A_50 : i32
      %dma_start3A_104 = arith.constant 0 : i32
      %dma_start3A_105 = tpu.memref_slice %arg5[%add3A_103, %dma_start3A_104] : memref<1024x12288xf32, #tpu.memory_space<hbm>> -> memref<1x12288xf32, #tpu.memory_space<hbm>>
      %dma_start3A_106 = tpu.memref_squeeze %dma_start3A_105 : memref<1x12288xf32, #tpu.memory_space<hbm>> -> memref<12288xf32, #tpu.memory_space<hbm>>
      %dma_start3A_107 = arith.constant 0 : i32
      %dma_start3A_108 = tpu.memref_slice %arg5[%add3A_103, %dma_start3A_107] : memref<1024x12288xf32, #tpu.memory_space<hbm>> -> memref<1x12288xf32, #tpu.memory_space<hbm>>
      %dma_start3A_109 = tpu.memref_squeeze %dma_start3A_108 : memref<1x12288xf32, #tpu.memory_space<hbm>> -> memref<12288xf32, #tpu.memory_space<hbm>>
      tpu.enqueue_dma source(%arg12 : memref<12288xf32, #tpu.memory_space<vmem>>) target(%dma_start3A_109 : memref<12288xf32, #tpu.memory_space<hbm>>) target_semaphore(%arg22 : memref<!tpu.dma_semaphore, #tpu.memory_space<semaphore_mem>>)
      %mul3A_110 = arith.constant 2 : i32
      %mul3A_111 = arith.muli %scan3A_45, %mul3A_110 : i32
      %add3A_112 = arith.constant 1 : i32
      %add3A_113 = arith.addi %mul3A_111, %add3A_112 : i32
      %add3A_114 = arith.constant 1 : i32
      %add3A_115 = arith.addi %add3A_113, %add3A_114 : i32
      %lt3A_116 = arith.constant 32 : i32
      %lt3A_117 = arith.cmpi slt, %add3A_115, %lt3A_116 : i32
      %convert_element_type3A_118 = arith.extui %lt3A_117 : i1 to i32
      %cond3A_119 = arith.constant 0 : i32
      %cond3A_120 = arith.cmpi ne, %convert_element_type3A_118, %cond3A_119 : i32
      scf.if %cond3A_120 {
        %add3A_182 = arith.constant 1 : i32
        %add3A_183 = arith.addi %add3A_113, %add3A_182 : i32
        %add3A_184 = arith.addi %mul3A_2, %add3A_183 : i32
        %dma_start3A_185 = arith.constant 0 : i32
        %dma_start3A_186 = tpu.memref_slice %arg3[%add3A_184, %dma_start3A_185] : memref<1024x1024xi32, #tpu.memory_space<hbm>> -> memref<1x1024xi32, #tpu.memory_space<hbm>>
        %dma_start3A_187 = tpu.memref_squeeze %dma_start3A_186 : memref<1x1024xi32, #tpu.memory_space<hbm>> -> memref<1024xi32, #tpu.memory_space<hbm>>
        %dma_start3A_188 = arith.constant 0 : i32
        %dma_start3A_189 = tpu.memref_slice %arg3[%add3A_184, %dma_start3A_188] : memref<1024x1024xi32, #tpu.memory_space<hbm>> -> memref<1x1024xi32, #tpu.memory_space<hbm>>
        %dma_start3A_190 = tpu.memref_squeeze %dma_start3A_189 : memref<1x1024xi32, #tpu.memory_space<hbm>> -> memref<1024xi32, #tpu.memory_space<hbm>>
        tpu.enqueue_dma source(%dma_start3A_190 : memref<1024xi32, #tpu.memory_space<hbm>>) target(%arg8 : memref<1024xi32, #tpu.memory_space<vmem>>) target_semaphore(%arg20 : memref<!tpu.dma_semaphore, #tpu.memory_space<semaphore_mem>>)
        %dma_start3A_191 = arith.constant 0 : i32
        %dma_start3A_192 = tpu.memref_slice %arg2[%add3A_184, %dma_start3A_191] : memref<1024x12288xf32, #tpu.memory_space<hbm>> -> memref<1x12288xf32, #tpu.memory_space<hbm>>
        %dma_start3A_193 = tpu.memref_squeeze %dma_start3A_192 : memref<1x12288xf32, #tpu.memory_space<hbm>> -> memref<12288xf32, #tpu.memory_space<hbm>>
        %dma_start3A_194 = arith.constant 0 : i32
        %dma_start3A_195 = tpu.memref_slice %arg2[%add3A_184, %dma_start3A_194] : memref<1024x12288xf32, #tpu.memory_space<hbm>> -> memref<1x12288xf32, #tpu.memory_space<hbm>>
        %dma_start3A_196 = tpu.memref_squeeze %dma_start3A_195 : memref<1x12288xf32, #tpu.memory_space<hbm>> -> memref<12288xf32, #tpu.memory_space<hbm>>
        tpu.enqueue_dma source(%dma_start3A_196 : memref<12288xf32, #tpu.memory_space<hbm>>) target(%arg10 : memref<12288xf32, #tpu.memory_space<vmem>>) target_semaphore(%arg20 : memref<!tpu.dma_semaphore, #tpu.memory_space<semaphore_mem>>)
      } else {
      }
      %add3A_121 = arith.addi %mul3A_2, %add3A_113 : i32
      %dma_wait3A_122 = arith.constant 0 : i32
      %dma_wait3A_123 = tpu.memref_slice %arg3[%add3A_121, %dma_wait3A_122] : memref<1024x1024xi32, #tpu.memory_space<hbm>> -> memref<1x1024xi32, #tpu.memory_space<hbm>>
      %dma_wait3A_124 = tpu.memref_squeeze %dma_wait3A_123 : memref<1x1024xi32, #tpu.memory_space<hbm>> -> memref<1024xi32, #tpu.memory_space<hbm>>
      %dma_wait3A_125 = arith.constant 0 : i32
      %dma_wait3A_126 = tpu.memref_slice %arg3[%add3A_121, %dma_wait3A_125] : memref<1024x1024xi32, #tpu.memory_space<hbm>> -> memref<1x1024xi32, #tpu.memory_space<hbm>>
      %dma_wait3A_127 = tpu.memref_squeeze %dma_wait3A_126 : memref<1x1024xi32, #tpu.memory_space<hbm>> -> memref<1024xi32, #tpu.memory_space<hbm>>
      tpu.wait_dma2 semaphore(%arg21 : memref<!tpu.dma_semaphore, #tpu.memory_space<semaphore_mem>>) src(%dma_wait3A_127 : memref<1024xi32, #tpu.memory_space<hbm>>) dst(%arg9 : memref<1024xi32, #tpu.memory_space<vmem>>)
      %dma_wait3A_128 = arith.constant 0 : i32
      %dma_wait3A_129 = tpu.memref_slice %arg2[%add3A_121, %dma_wait3A_128] : memref<1024x12288xf32, #tpu.memory_space<hbm>> -> memref<1x12288xf32, #tpu.memory_space<hbm>>
      %dma_wait3A_130 = tpu.memref_squeeze %dma_wait3A_129 : memref<1x12288xf32, #tpu.memory_space<hbm>> -> memref<12288xf32, #tpu.memory_space<hbm>>
      %dma_wait3A_131 = arith.constant 0 : i32
      %dma_wait3A_132 = tpu.memref_slice %arg2[%add3A_121, %dma_wait3A_131] : memref<1024x12288xf32, #tpu.memory_space<hbm>> -> memref<1x12288xf32, #tpu.memory_space<hbm>>
      %dma_wait3A_133 = tpu.memref_squeeze %dma_wait3A_132 : memref<1x12288xf32, #tpu.memory_space<hbm>> -> memref<12288xf32, #tpu.memory_space<hbm>>
      tpu.wait_dma2 semaphore(%arg21 : memref<!tpu.dma_semaphore, #tpu.memory_space<semaphore_mem>>) src(%dma_wait3A_133 : memref<12288xf32, #tpu.memory_space<hbm>>) dst(%arg11 : memref<12288xf32, #tpu.memory_space<vmem>>)
      %broadcast_in_dim3A_134 = arith.constant 0 : i32
      %broadcast_in_dim3A_135 = vector.broadcast %broadcast_in_dim3A_134 : i32 to vector<16xi32>
      %add3A_136 = vector.broadcast %add3A_113 : i32 to vector<16xi32>
      %add3A_137 = arith.addi %broadcast_in_dim3A_135, %add3A_136 : vector<16xi32>
      %gather3A_138 = tpu.vector_load_idx %arg17[%add3A_137] : memref<32xi32, #tpu.memory_space<vmem>>[vector<16xi32>], vector<16xi32>,
      %parallel_loop3A_139 = arith.constant 0 : i32
      %parallel_loop3A_140 = arith.constant 256 : i32
      %parallel_loop3A_141 = arith.constant 1 : i32
      scf.for %parallel_loop3A_182 = %parallel_loop3A_139 to %parallel_loop3A_140 step %parallel_loop3A_141  : i32 {
        %parallel_loop3A_183 = arith.constant 0 : i32
        %parallel_loop3A_184 = vector.broadcast %parallel_loop3A_183 : i32 to vector<16xi32>
        %parallel_loop3A_185 = arith.constant 16 : i32
        %parallel_loop3A_186 = arith.muli %parallel_loop3A_182, %parallel_loop3A_185 : i32
        %parallel_loop3A_187 = arith.index_cast %parallel_loop3A_186 : i32 to index
        %parallel_loop3A_188 = tpu.vector_load %arg15[%parallel_loop3A_187] {strides = array<i32>} : memref<4096xi32, #tpu.memory_space<vmem>>, vector<16xi32>,
        tpu.vector_store %arg15[%parallel_loop3A_187], %parallel_loop3A_184 {strides = array<i32>} : memref<4096xi32, #tpu.memory_space<vmem>>, vector<16xi32>,
      } {sc.loop_unroll_factor = 8 : i64, sc.parallel_access}
      %parallel_loop3A_142 = arith.constant 0 : i32
      %parallel_loop3A_143 = arith.constant 64 : i32
      %parallel_loop3A_144 = arith.constant 1 : i32
      scf.for %parallel_loop3A_182 = %parallel_loop3A_142 to %parallel_loop3A_143 step %parallel_loop3A_144  : i32 {
        %parallel_loop3A_183 = arith.constant 16 : i32
        %parallel_loop3A_184 = arith.muli %parallel_loop3A_182, %parallel_loop3A_183 : i32
        %parallel_loop3A_185 = arith.index_cast %parallel_loop3A_184 : i32 to index
        %parallel_loop3A_186 = tpu.vector_load %arg9[%parallel_loop3A_185] {strides = array<i32>} : memref<1024xi32, #tpu.memory_space<vmem>>, vector<16xi32>,
        %parallel_loop3A_187 = arith.constant 0 : i32
        %parallel_loop3A_188 = arith.addi %parallel_loop3A_187, %parallel_loop3A_182 : i32
        %parallel_loop3A_189 = arith.constant 0 : i32
        %parallel_loop3A_190 = vector.broadcast %parallel_loop3A_189 : i32 to vector<16xi32>
        %parallel_loop3A_191 = arith.shrsi %parallel_loop3A_186, %parallel_loop3A_190 : vector<16xi32>
        %parallel_loop3A_192 = arith.constant 255 : i32
        %parallel_loop3A_193 = vector.broadcast %parallel_loop3A_192 : i32 to vector<16xi32>
        %parallel_loop3A_194 = arith.andi %parallel_loop3A_191, %parallel_loop3A_193 : vector<16xi32>
        %parallel_loop3A_195 = arith.constant 16 : i32
        %parallel_loop3A_196 = arith.muli %parallel_loop3A_188, %parallel_loop3A_195 : i32
        %parallel_loop3A_197 = vector.broadcast %parallel_loop3A_196 : i32 to vector<16xi32>
        %parallel_loop3A_198 = arith.addi %parallel_loop3A_197, %iota3A : vector<16xi32>
        %parallel_loop3A_199 = arith.cmpi slt, %parallel_loop3A_198, %gather3A_138 : vector<16xi32>
        %parallel_loop3A_200 = arith.constant 11 : i32
        %parallel_loop3A_201 = vector.broadcast %parallel_loop3A_200 : i32 to vector<16xi32>
        %parallel_loop3A_202 = arith.select %parallel_loop3A_199, %parallel_loop3A_194, %parallel_loop3A_201 : vector<16xi1>, vector<16xi32>
        %parallel_loop3A_203 = arith.constant true
        %parallel_loop3A_204 = vector.broadcast %parallel_loop3A_203 : i1 to vector<16xi1>
        %parallel_loop3A_205, %parallel_loop3A_206 = tpu.scan_count mask(%parallel_loop3A_204 : vector<16xi1>) value(%parallel_loop3A_202 : vector<16xi32>) : vector<16xi1>, vector<16xi32>
        %parallel_loop3A_207 = arith.constant 16 : i32
        %parallel_loop3A_208 = vector.broadcast %parallel_loop3A_207 : i32 to vector<16xi32>
        %parallel_loop3A_209 = arith.muli %parallel_loop3A_202, %parallel_loop3A_208 : vector<16xi32>
        %parallel_loop3A_210 = arith.constant 1 : i32
        %parallel_loop3A_211 = vector.broadcast %parallel_loop3A_210 : i32 to vector<16xi32>
        %parallel_loop3A_212 = arith.subi %parallel_loop3A_206, %parallel_loop3A_211 : vector<16xi32>
        %parallel_loop3A_213 = arith.addi %parallel_loop3A_209, %parallel_loop3A_212 : vector<16xi32>
        %parallel_loop3A_214 = arith.constant 16 : i32
        %parallel_loop3A_215 = arith.muli %parallel_loop3A_188, %parallel_loop3A_214 : i32
        %parallel_loop3A_216 = arith.index_cast %parallel_loop3A_215 : i32 to index
        %parallel_loop3A_217 = tpu.vector_load %arg14[%parallel_loop3A_216] {strides = array<i32>} : memref<4096xi32, #tpu.memory_space<vmem>>, vector<16xi32>,
        tpu.vector_store %arg14[%parallel_loop3A_216], %parallel_loop3A_213 {strides = array<i32>} : memref<4096xi32, #tpu.memory_space<vmem>>, vector<16xi32>,
        %parallel_loop3A_218 = arith.constant 16 : i32
        %parallel_loop3A_219 = arith.muli %parallel_loop3A_188, %parallel_loop3A_218 : i32
        %parallel_loop3A_220 = vector.broadcast %parallel_loop3A_219 : i32 to vector<16xi32>
        %parallel_loop3A_221 = arith.addi %parallel_loop3A_220, %parallel_loop3A_202 : vector<16xi32>
        tpu.vector_store_idx %arg15[%parallel_loop3A_221], %parallel_loop3A_206 masked %parallel_loop3A_205 : memref<4096xi32, #tpu.memory_space<vmem>>[vector<16xi32>], vector<16xi32>, vector<16xi1>
        %parallel_loop3A_222 = arith.constant 64 : i32
        %parallel_loop3A_223 = arith.addi %parallel_loop3A_222, %parallel_loop3A_182 : i32
        %parallel_loop3A_224 = arith.constant 8 : i32
        %parallel_loop3A_225 = vector.broadcast %parallel_loop3A_224 : i32 to vector<16xi32>
        %parallel_loop3A_226 = arith.shrsi %parallel_loop3A_186, %parallel_loop3A_225 : vector<16xi32>
        %parallel_loop3A_227 = arith.constant 255 : i32
        %parallel_loop3A_228 = vector.broadcast %parallel_loop3A_227 : i32 to vector<16xi32>
        %parallel_loop3A_229 = arith.andi %parallel_loop3A_226, %parallel_loop3A_228 : vector<16xi32>
        %parallel_loop3A_230 = arith.constant 16 : i32
        %parallel_loop3A_231 = arith.muli %parallel_loop3A_223, %parallel_loop3A_230 : i32
        %parallel_loop3A_232 = vector.broadcast %parallel_loop3A_231 : i32 to vector<16xi32>
        %parallel_loop3A_233 = arith.addi %parallel_loop3A_232, %iota3A : vector<16xi32>
        %parallel_loop3A_234 = arith.cmpi slt, %parallel_loop3A_233, %gather3A_138 : vector<16xi32>
        %parallel_loop3A_235 = arith.constant 11 : i32
        %parallel_loop3A_236 = vector.broadcast %parallel_loop3A_235 : i32 to vector<16xi32>
        %parallel_loop3A_237 = arith.select %parallel_loop3A_234, %parallel_loop3A_229, %parallel_loop3A_236 : vector<16xi1>, vector<16xi32>
        %parallel_loop3A_238 = arith.constant true
        %parallel_loop3A_239 = vector.broadcast %parallel_loop3A_238 : i1 to vector<16xi1>
        %parallel_loop3A_240, %parallel_loop3A_241 = tpu.scan_count mask(%parallel_loop3A_239 : vector<16xi1>) value(%parallel_loop3A_237 : vector<16xi32>) : vector<16xi1>, vector<16xi32>
        %parallel_loop3A_242 = arith.constant 16 : i32
        %parallel_loop3A_243 = vector.broadcast %parallel_loop3A_242 : i32 to vector<16xi32>
        %parallel_loop3A_244 = arith.muli %parallel_loop3A_237, %parallel_loop3A_243 : vector<16xi32>
        %parallel_loop3A_245 = arith.constant 1 : i32
        %parallel_loop3A_246 = vector.broadcast %parallel_loop3A_245 : i32 to vector<16xi32>
        %parallel_loop3A_247 = arith.subi %parallel_loop3A_241, %parallel_loop3A_246 : vector<16xi32>
        %parallel_loop3A_248 = arith.addi %parallel_loop3A_244, %parallel_loop3A_247 : vector<16xi32>
        %parallel_loop3A_249 = arith.constant 16 : i32
        %parallel_loop3A_250 = arith.muli %parallel_loop3A_223, %parallel_loop3A_249 : i32
        %parallel_loop3A_251 = arith.index_cast %parallel_loop3A_250 : i32 to index
        %parallel_loop3A_252 = tpu.vector_load %arg14[%parallel_loop3A_251] {strides = array<i32>} : memref<4096xi32, #tpu.memory_space<vmem>>, vector<16xi32>,
        tpu.vector_store %arg14[%parallel_loop3A_251], %parallel_loop3A_248 {strides = array<i32>} : memref<4096xi32, #tpu.memory_space<vmem>>, vector<16xi32>,
        %parallel_loop3A_253 = arith.constant 16 : i32
        %parallel_loop3A_254 = arith.muli %parallel_loop3A_223, %parallel_loop3A_253 : i32
        %parallel_loop3A_255 = vector.broadcast %parallel_loop3A_254 : i32 to vector<16xi32>
        %parallel_loop3A_256 = arith.addi %parallel_loop3A_255, %parallel_loop3A_237 : vector<16xi32>
        tpu.vector_store_idx %arg15[%parallel_loop3A_256], %parallel_loop3A_241 masked %parallel_loop3A_240 : memref<4096xi32, #tpu.memory_space<vmem>>[vector<16xi32>], vector<16xi32>, vector<16xi1>
        %parallel_loop3A_257 = arith.constant 128 : i32
        %parallel_loop3A_258 = arith.addi %parallel_loop3A_257, %parallel_loop3A_182 : i32
        %parallel_loop3A_259 = arith.constant 16 : i32
        %parallel_loop3A_260 = vector.broadcast %parallel_loop3A_259 : i32 to vector<16xi32>
        %parallel_loop3A_261 = arith.shrsi %parallel_loop3A_186, %parallel_loop3A_260 : vector<16xi32>
        %parallel_loop3A_262 = arith.constant 255 : i32
        %parallel_loop3A_263 = vector.broadcast %parallel_loop3A_262 : i32 to vector<16xi32>
        %parallel_loop3A_264 = arith.andi %parallel_loop3A_261, %parallel_loop3A_263 : vector<16xi32>
        %parallel_loop3A_265 = arith.constant 16 : i32
        %parallel_loop3A_266 = arith.muli %parallel_loop3A_258, %parallel_loop3A_265 : i32
        %parallel_loop3A_267 = vector.broadcast %parallel_loop3A_266 : i32 to vector<16xi32>
        %parallel_loop3A_268 = arith.addi %parallel_loop3A_267, %iota3A : vector<16xi32>
        %parallel_loop3A_269 = arith.cmpi slt, %parallel_loop3A_268, %gather3A_138 : vector<16xi32>
        %parallel_loop3A_270 = arith.constant 11 : i32
        %parallel_loop3A_271 = vector.broadcast %parallel_loop3A_270 : i32 to vector<16xi32>
        %parallel_loop3A_272 = arith.select %parallel_loop3A_269, %parallel_loop3A_264, %parallel_loop3A_271 : vector<16xi1>, vector<16xi32>
        %parallel_loop3A_273 = arith.constant true
        %parallel_loop3A_274 = vector.broadcast %parallel_loop3A_273 : i1 to vector<16xi1>
        %parallel_loop3A_275, %parallel_loop3A_276 = tpu.scan_count mask(%parallel_loop3A_274 : vector<16xi1>) value(%parallel_loop3A_272 : vector<16xi32>) : vector<16xi1>, vector<16xi32>
        %parallel_loop3A_277 = arith.constant 16 : i32
        %parallel_loop3A_278 = vector.broadcast %parallel_loop3A_277 : i32 to vector<16xi32>
        %parallel_loop3A_279 = arith.muli %parallel_loop3A_272, %parallel_loop3A_278 : vector<16xi32>
        %parallel_loop3A_280 = arith.constant 1 : i32
        %parallel_loop3A_281 = vector.broadcast %parallel_loop3A_280 : i32 to vector<16xi32>
        %parallel_loop3A_282 = arith.subi %parallel_loop3A_276, %parallel_loop3A_281 : vector<16xi32>
        %parallel_loop3A_283 = arith.addi %parallel_loop3A_279, %parallel_loop3A_282 : vector<16xi32>
        %parallel_loop3A_284 = arith.constant 16 : i32
        %parallel_loop3A_285 = arith.muli %parallel_loop3A_258, %parallel_loop3A_284 : i32
        %parallel_loop3A_286 = arith.index_cast %parallel_loop3A_285 : i32 to index
        %parallel_loop3A_287 = tpu.vector_load %arg14[%parallel_loop3A_286] {strides = array<i32>} : memref<4096xi32, #tpu.memory_space<vmem>>, vector<16xi32>,
        tpu.vector_store %arg14[%parallel_loop3A_286], %parallel_loop3A_283 {strides = array<i32>} : memref<4096xi32, #tpu.memory_space<vmem>>, vector<16xi32>,
        %parallel_loop3A_288 = arith.constant 16 : i32
        %parallel_loop3A_289 = arith.muli %parallel_loop3A_258, %parallel_loop3A_288 : i32
        %parallel_loop3A_290 = vector.broadcast %parallel_loop3A_289 : i32 to vector<16xi32>
        %parallel_loop3A_291 = arith.addi %parallel_loop3A_290, %parallel_loop3A_272 : vector<16xi32>
        tpu.vector_store_idx %arg15[%parallel_loop3A_291], %parallel_loop3A_276 masked %parallel_loop3A_275 : memref<4096xi32, #tpu.memory_space<vmem>>[vector<16xi32>], vector<16xi32>, vector<16xi1>
        %parallel_loop3A_292 = arith.constant 192 : i32
        %parallel_loop3A_293 = arith.addi %parallel_loop3A_292, %parallel_loop3A_182 : i32
        %parallel_loop3A_294 = arith.constant 24 : i32
        %parallel_loop3A_295 = vector.broadcast %parallel_loop3A_294 : i32 to vector<16xi32>
        %parallel_loop3A_296 = arith.shrsi %parallel_loop3A_186, %parallel_loop3A_295 : vector<16xi32>
        %parallel_loop3A_297 = arith.constant 255 : i32
        %parallel_loop3A_298 = vector.broadcast %parallel_loop3A_297 : i32 to vector<16xi32>
        %parallel_loop3A_299 = arith.andi %parallel_loop3A_296, %parallel_loop3A_298 : vector<16xi32>
        %parallel_loop3A_300 = arith.constant 16 : i32
        %parallel_loop3A_301 = arith.muli %parallel_loop3A_293, %parallel_loop3A_300 : i32
        %parallel_loop3A_302 = vector.broadcast %parallel_loop3A_301 : i32 to vector<16xi32>
        %parallel_loop3A_303 = arith.addi %parallel_loop3A_302, %iota3A : vector<16xi32>
        %parallel_loop3A_304 = arith.cmpi slt, %parallel_loop3A_303, %gather3A_138 : vector<16xi32>
        %parallel_loop3A_305 = arith.constant 11 : i32
        %parallel_loop3A_306 = vector.broadcast %parallel_loop3A_305 : i32 to vector<16xi32>
        %parallel_loop3A_307 = arith.select %parallel_loop3A_304, %parallel_loop3A_299, %parallel_loop3A_306 : vector<16xi1>, vector<16xi32>
        %parallel_loop3A_308 = arith.constant true
        %parallel_loop3A_309 = vector.broadcast %parallel_loop3A_308 : i1 to vector<16xi1>
        %parallel_loop3A_310, %parallel_loop3A_311 = tpu.scan_count mask(%parallel_loop3A_309 : vector<16xi1>) value(%parallel_loop3A_307 : vector<16xi32>) : vector<16xi1>, vector<16xi32>
        %parallel_loop3A_312 = arith.constant 16 : i32
        %parallel_loop3A_313 = vector.broadcast %parallel_loop3A_312 : i32 to vector<16xi32>
        %parallel_loop3A_314 = arith.muli %parallel_loop3A_307, %parallel_loop3A_313 : vector<16xi32>
        %parallel_loop3A_315 = arith.constant 1 : i32
        %parallel_loop3A_316 = vector.broadcast %parallel_loop3A_315 : i32 to vector<16xi32>
        %parallel_loop3A_317 = arith.subi %parallel_loop3A_311, %parallel_loop3A_316 : vector<16xi32>
        %parallel_loop3A_318 = arith.addi %parallel_loop3A_314, %parallel_loop3A_317 : vector<16xi32>
        %parallel_loop3A_319 = arith.constant 16 : i32
        %parallel_loop3A_320 = arith.muli %parallel_loop3A_293, %parallel_loop3A_319 : i32
        %parallel_loop3A_321 = arith.index_cast %parallel_loop3A_320 : i32 to index
        %parallel_loop3A_322 = tpu.vector_load %arg14[%parallel_loop3A_321] {strides = array<i32>} : memref<4096xi32, #tpu.memory_space<vmem>>, vector<16xi32>,
        tpu.vector_store %arg14[%parallel_loop3A_321], %parallel_loop3A_318 {strides = array<i32>} : memref<4096xi32, #tpu.memory_space<vmem>>, vector<16xi32>,
        %parallel_loop3A_323 = arith.constant 16 : i32
        %parallel_loop3A_324 = arith.muli %parallel_loop3A_293, %parallel_loop3A_323 : i32
        %parallel_loop3A_325 = vector.broadcast %parallel_loop3A_324 : i32 to vector<16xi32>
        %parallel_loop3A_326 = arith.addi %parallel_loop3A_325, %parallel_loop3A_307 : vector<16xi32>
        tpu.vector_store_idx %arg15[%parallel_loop3A_326], %parallel_loop3A_311 masked %parallel_loop3A_310 : memref<4096xi32, #tpu.memory_space<vmem>>[vector<16xi32>], vector<16xi32>, vector<16xi1>
      } {sc.loop_unroll_factor = 1 : i64, sc.parallel_access}
      %broadcast_in_dim3A_145 = arith.constant 0 : i32
      %broadcast_in_dim3A_146 = vector.broadcast %broadcast_in_dim3A_145 : i32 to vector<16xi32>
      %scan3A_147 = arith.constant 0 : i32
      %scan3A_148 = arith.constant 256 : i32
      %scan3A_149 = arith.addi %scan3A_147, %scan3A_148 : i32
      %scan3A_150 = arith.constant 4 : i32
      %scan3A_151 = scf.for %scan3A_182 = %scan3A_147 to %scan3A_149 step %scan3A_150 iter_args(%scan3A_183 = %broadcast_in_dim3A_146) -> (vector<16xi32>)  : i32 {
        %mul3A_184 = arith.constant 16 : i32
        %mul3A_185 = arith.muli %scan3A_182, %mul3A_184 : i32
        %get3A = arith.index_cast %mul3A_185 : i32 to index
        %get3A_186 = tpu.vector_load %arg15[%get3A] {strides = array<i32>} : memref<4096xi32, #tpu.memory_space<vmem>>, vector<16xi32>,
        %swap3A_187 = arith.index_cast %mul3A_185 : i32 to index
        %swap3A_188 = tpu.vector_load %arg15[%swap3A_187] {strides = array<i32>} : memref<4096xi32, #tpu.memory_space<vmem>>, vector<16xi32>,
        tpu.vector_store %arg15[%swap3A_187], %scan3A_183 {strides = array<i32>} : memref<4096xi32, #tpu.memory_space<vmem>>, vector<16xi32>,
        %add3A_189 = arith.addi %scan3A_183, %get3A_186 : vector<16xi32>
        %scan3A_190 = arith.constant 1 : i32
        %scan3A_191 = arith.addi %scan3A_182, %scan3A_190 : i32
        %mul3A_192 = arith.constant 16 : i32
        %mul3A_193 = arith.muli %scan3A_191, %mul3A_192 : i32
        %get3A_194 = arith.index_cast %mul3A_193 : i32 to index
        %get3A_195 = tpu.vector_load %arg15[%get3A_194] {strides = array<i32>} : memref<4096xi32, #tpu.memory_space<vmem>>, vector<16xi32>,
        %swap3A_196 = arith.index_cast %mul3A_193 : i32 to index
        %swap3A_197 = tpu.vector_load %arg15[%swap3A_196] {strides = array<i32>} : memref<4096xi32, #tpu.memory_space<vmem>>, vector<16xi32>,
        tpu.vector_store %arg15[%swap3A_196], %add3A_189 {strides = array<i32>} : memref<4096xi32, #tpu.memory_space<vmem>>, vector<16xi32>,
        %add3A_198 = arith.addi %add3A_189, %get3A_195 : vector<16xi32>
        %scan3A_199 = arith.constant 2 : i32
        %scan3A_200 = arith.addi %scan3A_182, %scan3A_199 : i32
        %mul3A_201 = arith.constant 16 : i32
        %mul3A_202 = arith.muli %scan3A_200, %mul3A_201 : i32
        %get3A_203 = arith.index_cast %mul3A_202 : i32 to index
        %get3A_204 = tpu.vector_load %arg15[%get3A_203] {strides = array<i32>} : memref<4096xi32, #tpu.memory_space<vmem>>, vector<16xi32>,
        %swap3A_205 = arith.index_cast %mul3A_202 : i32 to index
        %swap3A_206 = tpu.vector_load %arg15[%swap3A_205] {strides = array<i32>} : memref<4096xi32, #tpu.memory_space<vmem>>, vector<16xi32>,
        tpu.vector_store %arg15[%swap3A_205], %add3A_198 {strides = array<i32>} : memref<4096xi32, #tpu.memory_space<vmem>>, vector<16xi32>,
        %add3A_207 = arith.addi %add3A_198, %get3A_204 : vector<16xi32>
        %scan3A_208 = arith.constant 3 : i32
        %scan3A_209 = arith.addi %scan3A_182, %scan3A_208 : i32
        %mul3A_210 = arith.constant 16 : i32
        %mul3A_211 = arith.muli %scan3A_209, %mul3A_210 : i32
        %get3A_212 = arith.index_cast %mul3A_211 : i32 to index
        %get3A_213 = tpu.vector_load %arg15[%get3A_212] {strides = array<i32>} : memref<4096xi32, #tpu.memory_space<vmem>>, vector<16xi32>,
        %swap3A_214 = arith.index_cast %mul3A_211 : i32 to index
        %swap3A_215 = tpu.vector_load %arg15[%swap3A_214] {strides = array<i32>} : memref<4096xi32, #tpu.memory_space<vmem>>, vector<16xi32>,
        tpu.vector_store %arg15[%swap3A_214], %add3A_207 {strides = array<i32>} : memref<4096xi32, #tpu.memory_space<vmem>>, vector<16xi32>,
        %add3A_216 = arith.addi %add3A_207, %get3A_213 : vector<16xi32>
        scf.yield %add3A_216 : vector<16xi32>
      }
      %scan3A_152 = arith.constant 256 : i32
      %broadcast_in_dim3A_153 = arith.constant true
      %broadcast_in_dim3A_154 = vector.broadcast %broadcast_in_dim3A_153 : i1 to vector<16xi1>
      %masked_cumsum3A_155 = tpu.scan <sum>, %scan3A_151 masked %broadcast_in_dim3A_154 : vector<16xi32>, vector<16xi1> -> vector<16xi32>
      %sub3A_156 = arith.subi %masked_cumsum3A_155, %scan3A_151 : vector<16xi32>
      %swap3A_157 = arith.constant 0 : index
      %swap3A_158 = tpu.vector_load %arg16[%swap3A_157] {strides = array<i32>} : memref<16xi32, #tpu.memory_space<vmem>>, vector<16xi32>,
      tpu.vector_store %arg16[%swap3A_157], %sub3A_156 {strides = array<i32>} : memref<16xi32, #tpu.memory_space<vmem>>, vector<16xi32>,
      %mul3A_159 = arith.constant 11 : i32
      %mul3A_160 = arith.muli %add3A_113, %mul3A_159 : i32
      %add3A_161 = vector.broadcast %mul3A_160 : i32 to vector<16xi32>
      %add3A_162 = arith.addi %add3A_161, %iota3A : vector<16xi32>
      %lt3A_163 = arith.constant 11 : i32
      %lt3A_164 = vector.broadcast %lt3A_163 : i32 to vector<16xi32>
      %lt3A_165 = arith.cmpi slt, %iota3A, %lt3A_164 : vector<16xi32>
      tpu.vector_store_idx %arg18[%add3A_162], %scan3A_151 masked %lt3A_165 : memref<352xi32, #tpu.memory_space<vmem>>[vector<16xi32>], vector<16xi32>, vector<16xi1>
      tpu.vector_store_idx %arg19[%add3A_162], %sub3A_156 masked %lt3A_165 : memref<352xi32, #tpu.memory_space<vmem>>[vector<16xi32>], vector<16xi32>, vector<16xi1>
      %ge3A_166 = arith.constant 2 : i32
      %ge3A_167 = arith.cmpi sge, %add3A_113, %ge3A_166 : i32
      %convert_element_type3A_168 = arith.extui %ge3A_167 : i1 to i32
      %cond3A_169 = arith.constant 0 : i32
      %cond3A_170 = arith.cmpi ne, %convert_element_type3A_168, %cond3A_169 : i32
      scf.if %cond3A_170 {
        %add3A_182 = arith.addi %mul3A_2, %add3A_113 : i32
        %sub3A_183 = arith.constant 2 : i32
        %sub3A_184 = arith.subi %add3A_182, %sub3A_183 : i32
        %dma_wait3A_185 = arith.constant 0 : i32
        %dma_wait3A_186 = tpu.memref_slice %arg5[%sub3A_184, %dma_wait3A_185] : memref<1024x12288xf32, #tpu.memory_space<hbm>> -> memref<1x12288xf32, #tpu.memory_space<hbm>>
        %dma_wait3A_187 = tpu.memref_squeeze %dma_wait3A_186 : memref<1x12288xf32, #tpu.memory_space<hbm>> -> memref<12288xf32, #tpu.memory_space<hbm>>
        %dma_wait3A_188 = arith.constant 0 : i32
        %dma_wait3A_189 = tpu.memref_slice %arg5[%sub3A_184, %dma_wait3A_188] : memref<1024x12288xf32, #tpu.memory_space<hbm>> -> memref<1x12288xf32, #tpu.memory_space<hbm>>
        %dma_wait3A_190 = tpu.memref_squeeze %dma_wait3A_189 : memref<1x12288xf32, #tpu.memory_space<hbm>> -> memref<12288xf32, #tpu.memory_space<hbm>>
        tpu.wait_dma2 semaphore(%arg23 : memref<!tpu.dma_semaphore, #tpu.memory_space<semaphore_mem>>) src(%arg13 : memref<12288xf32, #tpu.memory_space<vmem>>) dst(%dma_wait3A_190 : memref<12288xf32, #tpu.memory_space<hbm>>)
      } else {
      }
      %parallel_loop3A_171 = arith.constant 0 : i32
      %parallel_loop3A_172 = arith.constant 256 : i32
      %parallel_loop3A_173 = arith.constant 1 : i32
      scf.for %parallel_loop3A_182 = %parallel_loop3A_171 to %parallel_loop3A_172 step %parallel_loop3A_173  : i32 {
        %parallel_loop3A_183 = arith.constant 16 : i32
        %parallel_loop3A_184 = arith.muli %parallel_loop3A_182, %parallel_loop3A_183 : i32
        %parallel_loop3A_185 = arith.index_cast %parallel_loop3A_184 : i32 to index
        %parallel_loop3A_186 = tpu.vector_load %arg14[%parallel_loop3A_185] {strides = array<i32>} : memref<4096xi32, #tpu.memory_space<vmem>>, vector<16xi32>,
        %parallel_loop3A_187 = arith.constant 4 : i32
        %parallel_loop3A_188 = vector.broadcast %parallel_loop3A_187 : i32 to vector<16xi32>
        %parallel_loop3A_189 = arith.shrsi %parallel_loop3A_186, %parallel_loop3A_188 : vector<16xi32>
        %parallel_loop3A_190 = tpu.vector_load_idx %arg16[%parallel_loop3A_189] : memref<16xi32, #tpu.memory_space<vmem>>[vector<16xi32>], vector<16xi32>,
        %parallel_loop3A_191 = arith.constant 16 : i32
        %parallel_loop3A_192 = arith.muli %parallel_loop3A_182, %parallel_loop3A_191 : i32
        %parallel_loop3A_193 = vector.broadcast %parallel_loop3A_192 : i32 to vector<16xi32>
        %parallel_loop3A_194 = arith.addi %parallel_loop3A_193, %parallel_loop3A_189 : vector<16xi32>
        %parallel_loop3A_195 = tpu.vector_load_idx %arg15[%parallel_loop3A_194] : memref<4096xi32, #tpu.memory_space<vmem>>[vector<16xi32>], vector<16xi32>,
        %parallel_loop3A_196 = arith.addi %parallel_loop3A_190, %parallel_loop3A_195 : vector<16xi32>
        %parallel_loop3A_197 = arith.constant 15 : i32
        %parallel_loop3A_198 = vector.broadcast %parallel_loop3A_197 : i32 to vector<16xi32>
        %parallel_loop3A_199 = arith.andi %parallel_loop3A_186, %parallel_loop3A_198 : vector<16xi32>
        %parallel_loop3A_200 = arith.addi %parallel_loop3A_196, %parallel_loop3A_199 : vector<16xi32>
        %parallel_loop3A_201 = arith.constant 16 : i32
        %parallel_loop3A_202 = arith.muli %parallel_loop3A_182, %parallel_loop3A_201 : i32
        %parallel_loop3A_203 = arith.constant 3 : i32
        %parallel_loop3A_204 = arith.muli %parallel_loop3A_202, %parallel_loop3A_203 : i32
        %parallel_loop3A_205 = arith.constant 3 : i32
        %parallel_loop3A_206 = vector.broadcast %parallel_loop3A_205 : i32 to vector<16xi32>
        %parallel_loop3A_207 = arith.muli %iota3A, %parallel_loop3A_206 : vector<16xi32>
        %parallel_loop3A_208 = vector.broadcast %parallel_loop3A_204 : i32 to vector<16xi32>
        %parallel_loop3A_209 = arith.addi %parallel_loop3A_208, %parallel_loop3A_207 : vector<16xi32>
        %parallel_loop3A_210 = tpu.vector_load_idx %arg11[%parallel_loop3A_209] : memref<12288xf32, #tpu.memory_space<vmem>>[vector<16xi32>], vector<16xf32>,
        %parallel_loop3A_211 = arith.constant 1 : i32
        %parallel_loop3A_212 = vector.broadcast %parallel_loop3A_211 : i32 to vector<16xi32>
        %parallel_loop3A_213 = arith.addi %parallel_loop3A_209, %parallel_loop3A_212 : vector<16xi32>
        %parallel_loop3A_214 = tpu.vector_load_idx %arg11[%parallel_loop3A_213] : memref<12288xf32, #tpu.memory_space<vmem>>[vector<16xi32>], vector<16xf32>,
        %parallel_loop3A_215 = arith.constant 2 : i32
        %parallel_loop3A_216 = vector.broadcast %parallel_loop3A_215 : i32 to vector<16xi32>
        %parallel_loop3A_217 = arith.addi %parallel_loop3A_209, %parallel_loop3A_216 : vector<16xi32>
        %parallel_loop3A_218 = tpu.vector_load_idx %arg11[%parallel_loop3A_217] : memref<12288xf32, #tpu.memory_space<vmem>>[vector<16xi32>], vector<16xf32>,
        %parallel_loop3A_219 = arith.constant 11 : i32
        %parallel_loop3A_220 = vector.broadcast %parallel_loop3A_219 : i32 to vector<16xi32>
        %parallel_loop3A_221 = arith.cmpi slt, %parallel_loop3A_189, %parallel_loop3A_220 : vector<16xi32>
        %parallel_loop3A_222 = arith.select %parallel_loop3A_221, %parallel_loop3A_210, %broadcast_in_dim3A_3 : vector<16xi1>, vector<16xf32>
        %parallel_loop3A_223 = arith.select %parallel_loop3A_221, %parallel_loop3A_214, %broadcast_in_dim3A_3 : vector<16xi1>, vector<16xf32>
        %parallel_loop3A_224 = arith.select %parallel_loop3A_221, %parallel_loop3A_218, %broadcast_in_dim3A_3 : vector<16xi1>, vector<16xf32>
        %parallel_loop3A_225 = arith.constant 3 : i32
        %parallel_loop3A_226 = vector.broadcast %parallel_loop3A_225 : i32 to vector<16xi32>
        %parallel_loop3A_227 = arith.muli %parallel_loop3A_200, %parallel_loop3A_226 : vector<16xi32>
        tpu.vector_store_idx %arg13[%parallel_loop3A_227], %parallel_loop3A_222 : memref<12288xf32, #tpu.memory_space<vmem>>[vector<16xi32>], vector<16xf32>,
        %parallel_loop3A_228 = arith.constant 1 : i32
        %parallel_loop3A_229 = vector.broadcast %parallel_loop3A_228 : i32 to vector<16xi32>
        %parallel_loop3A_230 = arith.addi %parallel_loop3A_227, %parallel_loop3A_229 : vector<16xi32>
        tpu.vector_store_idx %arg13[%parallel_loop3A_230], %parallel_loop3A_223 : memref<12288xf32, #tpu.memory_space<vmem>>[vector<16xi32>], vector<16xf32>,
        %parallel_loop3A_231 = arith.constant 2 : i32
        %parallel_loop3A_232 = vector.broadcast %parallel_loop3A_231 : i32 to vector<16xi32>
        %parallel_loop3A_233 = arith.addi %parallel_loop3A_227, %parallel_loop3A_232 : vector<16xi32>
        tpu.vector_store_idx %arg13[%parallel_loop3A_233], %parallel_loop3A_224 : memref<12288xf32, #tpu.memory_space<vmem>>[vector<16xi32>], vector<16xf32>,
      } {sc.loop_unroll_factor = 1 : i64, sc.parallel_access}
      %add3A_174 = arith.addi %mul3A_2, %add3A_113 : i32
      %dma_start3A_175 = arith.constant 0 : i32
      %dma_start3A_176 = tpu.memref_slice %arg5[%add3A_174, %dma_start3A_175] : memref<1024x12288xf32, #tpu.memory_space<hbm>> -> memref<1x12288xf32, #tpu.memory_space<hbm>>
      %dma_start3A_177 = tpu.memref_squeeze %dma_start3A_176 : memref<1x12288xf32, #tpu.memory_space<hbm>> -> memref<12288xf32, #tpu.memory_space<hbm>>
      %dma_start3A_178 = arith.constant 0 : i32
      %dma_start3A_179 = tpu.memref_slice %arg5[%add3A_174, %dma_start3A_178] : memref<1024x12288xf32, #tpu.memory_space<hbm>> -> memref<1x12288xf32, #tpu.memory_space<hbm>>
      %dma_start3A_180 = tpu.memref_squeeze %dma_start3A_179 : memref<1x12288xf32, #tpu.memory_space<hbm>> -> memref<12288xf32, #tpu.memory_space<hbm>>
      tpu.enqueue_dma source(%arg13 : memref<12288xf32, #tpu.memory_space<vmem>>) target(%dma_start3A_180 : memref<12288xf32, #tpu.memory_space<hbm>>) target_semaphore(%arg23 : memref<!tpu.dma_semaphore, #tpu.memory_space<semaphore_mem>>)
      %scan3A_181 = arith.constant 0 : i32
      scf.yield %scan3A_181 : i32
    }
    %scan3A_22 = arith.constant 16 : i32
    %add3A_23 = arith.constant 32 : i32
    %add3A_24 = arith.addi %mul3A_2, %add3A_23 : i32
    %sub3A = arith.constant 2 : i32
    %sub3A_25 = arith.subi %add3A_24, %sub3A : i32
    %dma_wait3A = arith.constant 0 : i32
    %dma_wait3A_26 = tpu.memref_slice %arg5[%sub3A_25, %dma_wait3A] : memref<1024x12288xf32, #tpu.memory_space<hbm>> -> memref<1x12288xf32, #tpu.memory_space<hbm>>
    %dma_wait3A_27 = tpu.memref_squeeze %dma_wait3A_26 : memref<1x12288xf32, #tpu.memory_space<hbm>> -> memref<12288xf32, #tpu.memory_space<hbm>>
    %dma_wait3A_28 = arith.constant 0 : i32
    %dma_wait3A_29 = tpu.memref_slice %arg5[%sub3A_25, %dma_wait3A_28] : memref<1024x12288xf32, #tpu.memory_space<hbm>> -> memref<1x12288xf32, #tpu.memory_space<hbm>>
    %dma_wait3A_30 = tpu.memref_squeeze %dma_wait3A_29 : memref<1x12288xf32, #tpu.memory_space<hbm>> -> memref<12288xf32, #tpu.memory_space<hbm>>
    tpu.wait_dma2 semaphore(%arg22 : memref<!tpu.dma_semaphore, #tpu.memory_space<semaphore_mem>>) src(%arg12 : memref<12288xf32, #tpu.memory_space<vmem>>) dst(%dma_wait3A_30 : memref<12288xf32, #tpu.memory_space<hbm>>)
    %add3A_31 = arith.constant 32 : i32
    %add3A_32 = arith.addi %mul3A_2, %add3A_31 : i32
    %sub3A_33 = arith.constant 1 : i32
    %sub3A_34 = arith.subi %add3A_32, %sub3A_33 : i32
    %dma_wait3A_35 = arith.constant 0 : i32
    %dma_wait3A_36 = tpu.memref_slice %arg5[%sub3A_34, %dma_wait3A_35] : memref<1024x12288xf32, #tpu.memory_space<hbm>> -> memref<1x12288xf32, #tpu.memory_space<hbm>>
    %dma_wait3A_37 = tpu.memref_squeeze %dma_wait3A_36 : memref<1x12288xf32, #tpu.memory_space<hbm>> -> memref<12288xf32, #tpu.memory_space<hbm>>
    %dma_wait3A_38 = arith.constant 0 : i32
    %dma_wait3A_39 = tpu.memref_slice %arg5[%sub3A_34, %dma_wait3A_38] : memref<1024x12288xf32, #tpu.memory_space<hbm>> -> memref<1x12288xf32, #tpu.memory_space<hbm>>
    %dma_wait3A_40 = tpu.memref_squeeze %dma_wait3A_39 : memref<1x12288xf32, #tpu.memory_space<hbm>> -> memref<12288xf32, #tpu.memory_space<hbm>>
    tpu.wait_dma2 semaphore(%arg23 : memref<!tpu.dma_semaphore, #tpu.memory_space<semaphore_mem>>) src(%arg13 : memref<12288xf32, #tpu.memory_space<vmem>>) dst(%dma_wait3A_40 : memref<12288xf32, #tpu.memory_space<hbm>>)
    %mul3A_41 = arith.constant 11 : i32
    %mul3A_42 = arith.muli %mul3A_2, %mul3A_41 : i32
    "tpu.region"() ({
      %run_scoped3A = tpu.sem_alloc : memref<!tpu.dma_semaphore, #tpu.memory_space<semaphore_mem>>
      %dma_start3A_45 = tpu.memref_slice %arg6[%mul3A_42] : memref<11264xi32, #tpu.memory_space<hbm>> -> memref<352xi32, #tpu.memory_space<hbm>>
      %dma_start3A_46 = tpu.memref_slice %arg6[%mul3A_42] : memref<11264xi32, #tpu.memory_space<hbm>> -> memref<352xi32, #tpu.memory_space<hbm>>
      tpu.enqueue_dma source(%arg18 : memref<352xi32, #tpu.memory_space<vmem>>) target(%dma_start3A_46 : memref<352xi32, #tpu.memory_space<hbm>>) target_semaphore(%run_scoped3A : memref<!tpu.dma_semaphore, #tpu.memory_space<semaphore_mem>>)
      %dma_wait3A_47 = tpu.memref_slice %arg6[%mul3A_42] : memref<11264xi32, #tpu.memory_space<hbm>> -> memref<352xi32, #tpu.memory_space<hbm>>
      %dma_wait3A_48 = tpu.memref_slice %arg6[%mul3A_42] : memref<11264xi32, #tpu.memory_space<hbm>> -> memref<352xi32, #tpu.memory_space<hbm>>
      tpu.wait_dma2 semaphore(%run_scoped3A : memref<!tpu.dma_semaphore, #tpu.memory_space<semaphore_mem>>) src(%arg18 : memref<352xi32, #tpu.memory_space<vmem>>) dst(%dma_wait3A_48 : memref<352xi32, #tpu.memory_space<hbm>>)
      tpu.yield
    }) : () -> ()
    %mul3A_43 = arith.constant 11 : i32
    %mul3A_44 = arith.muli %mul3A_2, %mul3A_43 : i32
    "tpu.region"() ({
      %run_scoped3A = tpu.sem_alloc : memref<!tpu.dma_semaphore, #tpu.memory_space<semaphore_mem>>
      %dma_start3A_45 = tpu.memref_slice %arg7[%mul3A_44] : memref<11264xi32, #tpu.memory_space<hbm>> -> memref<352xi32, #tpu.memory_space<hbm>>
      %dma_start3A_46 = tpu.memref_slice %arg7[%mul3A_44] : memref<11264xi32, #tpu.memory_space<hbm>> -> memref<352xi32, #tpu.memory_space<hbm>>
      tpu.enqueue_dma source(%arg19 : memref<352xi32, #tpu.memory_space<vmem>>) target(%dma_start3A_46 : memref<352xi32, #tpu.memory_space<hbm>>) target_semaphore(%run_scoped3A : memref<!tpu.dma_semaphore, #tpu.memory_space<semaphore_mem>>)
      %dma_wait3A_47 = tpu.memref_slice %arg7[%mul3A_44] : memref<11264xi32, #tpu.memory_space<hbm>> -> memref<352xi32, #tpu.memory_space<hbm>>
      %dma_wait3A_48 = tpu.memref_slice %arg7[%mul3A_44] : memref<11264xi32, #tpu.memory_space<hbm>> -> memref<352xi32, #tpu.memory_space<hbm>>
      tpu.wait_dma2 semaphore(%run_scoped3A : memref<!tpu.dma_semaphore, #tpu.memory_space<semaphore_mem>>) src(%arg19 : memref<352xi32, #tpu.memory_space<vmem>>) dst(%dma_wait3A_48 : memref<352xi32, #tpu.memory_space<hbm>>)
      tpu.yield
    }) : () -> ()
    return
  }
}

module attributes {stable_mosaic.version = 14 : i64} {
  func.func @_pack_body(%arg0: i32, %arg1: memref<128x4096xi32, #tpu.memory_space<vmem>>, %arg2: memref<128x4096xi32, #tpu.memory_space<vmem>>, %arg3: memref<128x1024xi32, #tpu.memory_space<vmem>>) attributes {dimension_semantics = [#tpu.dimension_semantics<arbitrary>], iteration_bounds = array<i64: 8>, scalar_prefetch = 0 : i64, scratch_operands = 0 : i64, tpu.core_type = #tpu.core_type<tc>, window_params = [{transform_indices = @transform_0, window_bounds = array<i64: 128, 4096>}, {transform_indices = @transform_1, window_bounds = array<i64: 128, 4096>}, {transform_indices = @transform_2, window_bounds = array<i64: 128, 1024>}]} {
    %get3A = arith.constant 0 : index
    %get3A_0 = arith.constant 0 : index
    %get3A_1 = vector.load %arg1[%get3A, %get3A_0] : memref<128x4096xi32, #tpu.memory_space<vmem>>, vector<128x4096xi32>
    %get3A_2 = arith.constant 0 : index
    %get3A_3 = arith.constant 0 : index
    %get3A_4 = vector.load %arg2[%get3A_2, %get3A_3] : memref<128x4096xi32, #tpu.memory_space<vmem>>, vector<128x4096xi32>
    %add3A = arith.addi %get3A_1, %get3A_4 : vector<128x4096xi32>
    %ge3A = arith.constant 44 : i32
    %ge3A_5 = vector.broadcast %ge3A : i32 to vector<128x4096xi32>
    %ge3A_6 = arith.cmpi sge, %add3A, %ge3A_5 : vector<128x4096xi32>
    %jit3A = arith.constant 44 : i32
    %jit3A_7 = arith.constant 0 : i32
    %broadcast_in_dim3A = vector.broadcast %jit3A : i32 to vector<128x4096xi32>
    %broadcast_in_dim3A_8 = vector.broadcast %jit3A_7 : i32 to vector<128x4096xi32>
    %select_n3A = arith.select %ge3A_6, %broadcast_in_dim3A, %broadcast_in_dim3A_8 : vector<128x4096xi1>, vector<128x4096xi32>
    %sub3A = arith.subi %add3A, %select_n3A : vector<128x4096xi32>
    %ge3A_9 = arith.constant 22 : i32
    %ge3A_10 = vector.broadcast %ge3A_9 : i32 to vector<128x4096xi32>
    %ge3A_11 = arith.cmpi sge, %sub3A, %ge3A_10 : vector<128x4096xi32>
    %jit3A_12 = arith.constant 22 : i32
    %jit3A_13 = arith.constant 0 : i32
    %broadcast_in_dim3A_14 = vector.broadcast %jit3A_12 : i32 to vector<128x4096xi32>
    %broadcast_in_dim3A_15 = vector.broadcast %jit3A_13 : i32 to vector<128x4096xi32>
    %select_n3A_16 = arith.select %ge3A_11, %broadcast_in_dim3A_14, %broadcast_in_dim3A_15 : vector<128x4096xi1>, vector<128x4096xi32>
    %sub3A_17 = arith.subi %sub3A, %select_n3A_16 : vector<128x4096xi32>
    %ge3A_18 = arith.constant 11 : i32
    %ge3A_19 = vector.broadcast %ge3A_18 : i32 to vector<128x4096xi32>
    %ge3A_20 = arith.cmpi sge, %sub3A_17, %ge3A_19 : vector<128x4096xi32>
    %jit3A_21 = arith.constant 11 : i32
    %jit3A_22 = arith.constant 0 : i32
    %broadcast_in_dim3A_23 = vector.broadcast %jit3A_21 : i32 to vector<128x4096xi32>
    %broadcast_in_dim3A_24 = vector.broadcast %jit3A_22 : i32 to vector<128x4096xi32>
    %select_n3A_25 = arith.select %ge3A_20, %broadcast_in_dim3A_23, %broadcast_in_dim3A_24 : vector<128x4096xi1>, vector<128x4096xi32>
    %sub3A_26 = arith.subi %sub3A_17, %select_n3A_25 : vector<128x4096xi32>
    %slice3A = vector.extract_strided_slice %sub3A_26 {offsets = [0, 0], sizes = [128, 1024], strides = [1, 1]} : vector<128x4096xi32> to vector<128x1024xi32>
    %slice3A_27 = vector.extract_strided_slice %sub3A_26 {offsets = [0, 1024], sizes = [128, 1024], strides = [1, 1]} : vector<128x4096xi32> to vector<128x1024xi32>
    %shift_left3A = arith.constant 8 : i32
    %shift_left3A_28 = vector.broadcast %shift_left3A : i32 to vector<128x1024xi32>
    %shift_left3A_29 = arith.shli %slice3A_27, %shift_left3A_28 : vector<128x1024xi32>
    %or3A = arith.ori %slice3A, %shift_left3A_29 : vector<128x1024xi32>
    %slice3A_30 = vector.extract_strided_slice %sub3A_26 {offsets = [0, 2048], sizes = [128, 1024], strides = [1, 1]} : vector<128x4096xi32> to vector<128x1024xi32>
    %shift_left3A_31 = arith.constant 16 : i32
    %shift_left3A_32 = vector.broadcast %shift_left3A_31 : i32 to vector<128x1024xi32>
    %shift_left3A_33 = arith.shli %slice3A_30, %shift_left3A_32 : vector<128x1024xi32>
    %or3A_34 = arith.ori %or3A, %shift_left3A_33 : vector<128x1024xi32>
    %slice3A_35 = vector.extract_strided_slice %sub3A_26 {offsets = [0, 3072], sizes = [128, 1024], strides = [1, 1]} : vector<128x4096xi32> to vector<128x1024xi32>
    %shift_left3A_36 = arith.constant 24 : i32
    %shift_left3A_37 = vector.broadcast %shift_left3A_36 : i32 to vector<128x1024xi32>
    %shift_left3A_38 = arith.shli %slice3A_35, %shift_left3A_37 : vector<128x1024xi32>
    %or3A_39 = arith.ori %or3A_34, %shift_left3A_38 : vector<128x1024xi32>
    %swap3A = arith.constant 0 : index
    %swap3A_40 = arith.constant 0 : index
    %swap3A_41 = vector.load %arg3[%swap3A, %swap3A_40] : memref<128x1024xi32, #tpu.memory_space<vmem>>, vector<128x1024xi32>
    tpu.vector_store %arg3[%swap3A, %swap3A_40], %or3A_39 {strides = array<i32>} : memref<128x1024xi32, #tpu.memory_space<vmem>>, vector<128x1024xi32>,
    return
  }
  func.func @transform_0(%arg0: i32) -> (i32, i32) {
    %c0_i32 = arith.constant 0 : i32
    %c0_i32_0 = arith.constant 0 : i32
    return %arg0, %c0_i32 : i32, i32
  }
  func.func @transform_1(%arg0: i32) -> (i32, i32) {
    %c0_i32 = arith.constant 0 : i32
    %c0_i32_0 = arith.constant 0 : i32
    return %arg0, %c0_i32 : i32, i32
  }
  func.func @transform_2(%arg0: i32) -> (i32, i32) {
    %c0_i32 = arith.constant 0 : i32
    %c0_i32_0 = arith.constant 0 : i32
    return %arg0, %c0_i32 : i32, i32
  }
}

</mosaic_0001>

<sc_bundles>
// kernel: kernel.4.cloned.1.call-start
scs
__scs_entry_jumppad:
0x0: {  	(pc) =	sbr.rel $0x88, $3  }
0x1: {  	(tag) =	ssettag $0x0;
	lr =	simm.s32 $0x1  }
0x2: {  	[smem:$0x3F9D] =	sst lr;
	_ =	strace $0xD0000000  }
0x3: {  	_ = 	snop  }
0x4: {  	_ = 	snop  }
0x5: {  	_ = 	snop  }
0x6: {  	_ = 	snop  }
0x7: {  	_ = 	snop  }
__scs_overlays_trampoline_lowered:
0x8: {  	[smem:$0x3FAC] =	sst s0  }
0x9: {  	[smem:$0x3FAD] =	sst s1  }
0xa: {  	[smem:$0x3FAE] =	sst s2  }
0xb: {  	[smem:$0x3FAF] =	sst s3  }
0xc: {  	[smem:$0x3FB0] =	sst s4  }
0xd: {  	[smem:$0x3FB1] =	sst s5  }
0xe: {  	[smem:$0x3FB2] =	sst s6  }
0xf: {  	[smem:$0x3FB3] =	sst s7  }
0x10: {  	[smem:$0x3FB4] =	sst s8  }
0x11: {  	[smem:$0x3FB5] =	sst s9;
	s0 =	simm.s32 @!p0 $0x0  }
0x12: {  	s1 =	sld [smem:$0x3F9B];
	s0 =	simm.s32 @p0 $0x1  }
0x13: {  	[smem:$0x3FB6] =	sst s0;
	s0 =	simm.s32 @!p1 $0x0  }
0x14: {  	s2 =	sld [smem:$0x3F9A];
	s0 =	simm.s32 @p1 $0x1  }
0x15: {  	[smem:$0x3FB7] =	sst s0;
	s0 =	simm.s32 @!p2 $0x0  }
0x16: {  	s3 =	sld [smem:$0x3FDB];
	s0 =	simm.s32 @p2 $0x1  }
0x17: {  	s4 =	simm.s32 $0x1BF5;
	[smem:$0x3FB9] =	sst s0  }
0x18: {  	s0 =	sld [smem:$0x3F9C];
	_ =	swait.ge [sflag:s4], $0x0  }
0x19: {  	s7 =	sld [smem:$0x3F9D]  }
0x1a: {  	s8 =	sadd.s32 $0xFFFFE003, lr  }
0x1b: {  	s9 =	sadd.s32 $0xFFFFFEF7, lr;
	s5 =	simm.s32 $0xFFFFFFFF;
	p2 =	slt.u32 s8, $0xFFFFF086  }
0x1c: {  	p1 =	slt.u32 s9, $0xF7A;
	s5 =	simm.s32 @!p2 $0x0  }
0x1d: {  	s5 =	simm.s32 @p1 $0x1;
	p0 =	seq.s32 s7, s2  }
0x1e: {  	s7 =	smul.u32 @!p0 $0xF7A, s2;
	p2 =	seq.s32 @!p0 s5, $0x0  }
0x1f: {  	s9 =	smul.u32 $0xF7A, s1;
	s8 =	simm.s32 @!p0 $0x1BF5;
	p2 =	por !p2, p0  }
0x20: {  	[sflag:s8] =	ssyncset.s32 @!p0 $0xFFFFF086;
	s6 =	sadd.s32 @!p0 s3, s7;
	s7 =	simm.s32 @!p0 $0x108  }
0x21: {  	s3 =	sadd.s32 s3, s9;
	s6 =	sadd.s32 @!p0 $0x88, s6;
	s7 =	simm.s32 @p2 $0x1082  }
0x22: {  	[simem:s7], [sflag:s8] =	dma.local @!p0 [hbm:s6], $0xF7A  }
0x23: {  	s9 =	sor.u32 $0xD0000000, s2;
	s6 =	simm.s32 $0x108;
	_ =	swait.ge @!p0 [sflag:s8], $0x0  }
0x24: {  	s3 =	sadd.s32 $0x88, s3;
	s6 =	simm.s32 @!p1 $0x1082;
	[sflag:s4] =	ssyncset.s32 $0xFFFFF086  }
0x25: {  	[simem:s6], [sflag:s4] =	dma.local [hbm:s3], $0xF7A  }
0x26: {  	[smem:$0x3F9D] =	sst s1;
	(tag) =	ssettag s2;
	_ =	strace s9  }
0x27: {  	s1 =	sld [smem:$0x3FAD]  }
0x28: {  	s2 =	sld [smem:$0x3FAE]  }
0x29: {  	s4 =	sld [smem:$0x3FB0]  }
0x2a: {  	p0 =	seq.s32 s5, $0x0;
	s5 =	sld [smem:$0x3FB1]  }
0x2b: {  	s6 =	sld [smem:$0x3FB2]  }
0x2c: {  	s7 =	sld [smem:$0x3FB3]  }
0x2d: {  	s3 =	simm.s32 $0x108;
	s8 =	sld [smem:$0x3FB4]  }
0x2e: {  	s3 =	simm.s32 @!p0 $0x1082;
	s9 =	sld [smem:$0x3FB5]  }
0x2f: {  	lr =	sadd.s32 s0, s3;
	s0 =	sld [smem:$0x3FAC]  }
0x30: {  	s3 =	sld [smem:$0x3FAF]  }
0x31: {  	[smem:$0x3FB8] =	sst s10  }
0x32: {  	s10 =	sld [smem:$0x3FB6];
	_ =	sdelay $0x3  }
0x33: {  	p0 =	seq.s32 s10, $0x1;
	s10 =	sld [smem:$0x3FB8];
	_ =	sdelay $0x3  }
0x34: {  	[smem:$0x3FB8] =	sst s10  }
0x35: {  	s10 =	sld [smem:$0x3FB7];
	_ =	sdelay $0x3  }
0x36: {  	p1 =	seq.s32 s10, $0x1;
	s10 =	sld [smem:$0x3FB8];
	_ =	sdelay $0x3  }
0x37: {  	[smem:$0x3FB8] =	sst s10  }
0x38: {  	s10 =	sld [smem:$0x3FB9]  }
0x39: {  	_ = 	snop;
	(pc) =	sbr.ind lr, $3  }
0x3a: {  	_ = 	snop  }
0x3b: {  	_ = 	snop  }
0x3c: {  	p2 =	seq.s32 s10, $0x1;
	s10 =	sld [smem:$0x3FB8]  }
0x3d: {  	_ =	shalt  }
0x3e: {  	_ =	shalt  }
0x3f: {  	_ =	shalt  }
0x40: {  	_ =	shalt  }
0x41: {  	_ =	shalt  }
0x42: {  	_ =	shalt  }
0x43: {  	_ =	shalt  }
0x44: {  	_ =	shalt  }
0x45: {  	_ =	shalt  }
0x46: {  	_ =	shalt  }
0x47: {  	_ =	shalt  }
0x48: {  	_ =	shalt  }
0x49: {  	_ =	shalt  }
0x4a: {  	_ =	shalt  }
0x4b: {  	_ =	shalt  }
0x4c: {  	_ =	shalt  }
0x4d: {  	_ =	shalt  }
0x4e: {  	_ =	shalt  }
0x4f: {  	_ =	shalt  }
0x50: {  	_ =	shalt  }
0x51: {  	_ =	shalt  }
0x52: {  	_ =	shalt  }
0x53: {  	_ =	shalt  }
0x54: {  	_ =	shalt  }
0x55: {  	_ =	shalt  }
0x56: {  	_ =	shalt  }
0x57: {  	_ =	shalt  }
0x58: {  	_ =	shalt  }
0x59: {  	_ =	shalt  }
0x5a: {  	_ =	shalt  }
0x5b: {  	_ =	shalt  }
0x5c: {  	_ =	shalt  }
0x5d: {  	_ =	shalt  }
0x5e: {  	_ =	shalt  }
0x5f: {  	_ =	shalt  }
0x60: {  	_ =	shalt  }
0x61: {  	_ =	shalt  }
0x62: {  	_ =	shalt  }
0x63: {  	_ =	shalt  }
0x64: {  	_ =	shalt  }
0x65: {  	_ =	shalt  }
0x66: {  	_ =	shalt  }
0x67: {  	_ =	shalt  }
0x68: {  	_ =	shalt  }
0x69: {  	_ =	shalt  }
0x6a: {  	_ =	shalt  }
0x6b: {  	_ =	shalt  }
0x6c: {  	_ =	shalt  }
0x6d: {  	_ =	shalt  }
0x6e: {  	_ =	shalt  }
0x6f: {  	_ =	shalt  }
0x70: {  	_ =	shalt  }
0x71: {  	_ =	shalt  }
0x72: {  	_ =	shalt  }
0x73: {  	_ =	shalt  }
0x74: {  	_ =	shalt  }
0x75: {  	_ =	shalt  }
0x76: {  	_ =	shalt  }
0x77: {  	_ =	shalt  }
0x78: {  	_ =	shalt  }
0x79: {  	_ =	shalt  }
0x7a: {  	_ =	shalt  }
0x7b: {  	_ =	shalt  }
0x7c: {  	_ =	shalt  }
0x7d: {  	_ =	shalt  }
0x7e: {  	_ =	shalt  }
0x7f: {  	_ =	shalt  }
0x80: {  	_ =	shalt  }
0x81: {  	_ =	shalt  }
0x82: {  	_ =	shalt  }
0x83: {  	_ =	shalt  }
0x84: {  	_ =	shalt  }
0x85: {  	_ =	shalt  }
0x86: {  	_ =	shalt  }
0x87: {  	_ =	shalt  }
.Lfunc_end0:
.L_simem_size_0:
called_computation_lowered:
.L_overlay_start_0:
0x88: {  	s2 =	sld [smem:$0x3FD9]  }
0x89: {  	s3 =	sld [smem:$0x3FFE];
	_ =	sdelay $0x1  }
0x8a: {  	s1 =	srdreg.scid  }
0x8b: {  	s0 =	sand.u32 $0x1, s1  }
0x8c: {  	s14 =	sshll.u32 s0, $0xA;
	s2 =	sadd.s32 s3, s2  }
0x8d: {  	s2 =	sadd.s32 s2, s14  }
0x8e: {  	[smem:$0x3FC4] =	sst s2  }
0x8f: {  	_ = 	snop  }
0x90: {  	s2 =	sld [smem:$0x3FD0];
	_ =	sdelay $0x1  }
0x91: {  	s15 =	sld [smem:$0x3FC9]  }
0x92: {  	s5 =	simm.s32 $0xA;
	s6 =	simm.s32 $0x10;
	s4 =	sld [smem:$0x3FC6]  }
0x93: {  	[smem:s6], [sflag:s5] =	dma.local [hbm:s2], $0x1  }
0x94: {  	_ =	swait.eq [sflag:s5], $0x1  }
0x95: {  	[sflag:s5] =	ssyncset.done $0x0  }
0x96: {  	s16 =	sld [smem:$0x10];
	[sflag:s5] =	ssyncadd.s32 $0xFFFFFFFF  }
0x97: {  	s17 =	sld [smem:$0x12];
	(tm) =	ssettm $0x1  }
0x98: {  	s18 =	sld [smem:$0x3FFB];
	_ =	sdelay $0x3  }
0x99: {  	_ =	strace s18  }
0x9a: {  	s6 =	sld [smem:$0x3FFC];
	_ =	sdelay $0x3  }
0x9b: {  	_ =	strace s6  }
0x9c: {  	s6 =	sld [smem:$0x3FFD];
	_ =	sdelay $0x3  }
0x9d: {  	_ =	strace s6  }
0x9e: {  	_ =	strace $0x8FFFFFFF  }
0x9f: {  	s19 =	sld [smem:$0x3FDB];
	_ =	sdelay $0x1  }
0xa0: {  	s7 =	simm.s32 $_scs_section_size  }
0xa1: {  	s8 =	simm.s32 $_size__tile_overlayer_lowered;
	s9 =	simm.s32 $_tile_overlayer_lowered  }
0xa2: {  	s22 =	simm.s32 $0x1BFF;
	s21 =	sshll.u32 s9, $0x1;
	s6 =	sadd.s32 s7, s19  }
0xa3: {  	s10 =	simm.s32 $0x0;
	s20 =	sshll.u32 s8, $0x1;
	s8 =	sadd.s32 s21, s6  }
0xa4: {  	[timem:s10], [sflag:s22] =	dma.local [hbm:s8], s20  }
0xa5: {  	_ =	swait.ge [sflag:s22], s20  }
0xa6: {  	s7 =	ssub.s32 $0x0, s20;
	[sflag:s22] =	ssyncset.done $0x0  }
0xa7: {  	[sflag:s22] =	ssyncadd.s32 s7;
	_ =	sdelay $0x1  }
0xa8: {  	s23 =	simm.s32 $0x1B8B  }
0xa9: {  	_ =	swait.ge [sflag:s23], $0x1  }
0xaa: {  	[sflag:s23] =	ssyncset.done $0x0  }
0xab: {  	s25 =	simm.s32 $0x1B8E;
	s24 =	sld [smem:$0x3FFE];
	[sflag:s23] =	ssyncadd.s32 $0xFFFFFFFF  }
0xac: {  	s26 =	simm.s32 $execute0_lowered;
	[smem:$0x3FD2] =	sst s25  }
0xad: {  	s8 =	sshll.u32 s26, $0x1;
	_ =	strace $0x80000046;
	[dreg:$0x1] =	wrdreg $0xFFFFFFFF  }
0xae: {  	s28 =	simm.s32 $_size_execute0_lowered;
	s6 =	sadd.s32 s6, s8;
	[dreg:$0x0] =	wrdreg $0x0  }
0xaf: {  	s8 =	sshll.u32 s28, $0x1;
	[dreg:$0x2] =	wrdreg s6  }
0xb0: {  	[dreg:$0x3] =	wrdreg s8  }
0xb1: {  	[dreg:$0x4] =	wrdreg $0xC0  }
0xb2: {  	_ =	task [dreg:s10], $0x5FFFF  }
0xb3: {  	[dreg:$0x1] =	wrdreg $0xFFFFFFFF  }
0xb4: {  	[dreg:$0x0] =	wrdreg $0x60  }
0xb5: {  	[dreg:$0x2] =	wrdreg s15  }
0xb6: {  	[dreg:$0x3] =	wrdreg s24  }
0xb7: {  	[dreg:$0x4] =	wrdreg s4  }
0xb8: {  	[dreg:$0x5] =	wrdreg s16  }
0xb9: {  	[dreg:$0x6] =	wrdreg s17  }
0xba: {  	[dreg:$0x7] =	wrdreg $0x9  }
0xbb: {  	_ =	task.clear_ibuf [dreg:s10], $0x8FFFF;
	_ =	strace $0x90000046  }
0xbc: {  	s29 =	simm.s32 $0x9;
	_ =	strace $0x80000048  }
0xbd: {  	_ =	swait.ge [sflag:s29], $0x1  }
0xbe: {  	[sflag:s29] =	ssyncadd.s32 $0xFFFFFFFF  }
0xbf: {  	_ =	strace $0x90000048  }
0xc0: {  	_ =	sfence  }
0xc1: {  	s30 =	sld [smem:$0x0];
	_ =	sdelay $0x2  }
0xc2: {  	s31 =	sshll.u32 s1, $0xD;
	s1 =	sshrl.u32 s1, $0x2  }
0xc3: {  	s3 =	sand.u32 $0x4000, s31;
	s1 =	sadd.s32 s1, s30  }
0xc4: {  	s0 =	sor.u32 s3, s0;
	s1 =	sshll.u32 s1, $0x11  }
0xc5: {  	s0 =	sor.u32 s1, s0  }
0xc6: {  	s0 =	sadd.s32 $0x8F2B, s0  }
0xc7: {  	[sflag:s0] =	ssyncadd.remote.s32 $0x1  }
0xc8: {  	_ =	sfence.sel $0xFFFF  }
0xc9: {  	[dreg:$0x0] =	wrdreg $0xFFFFFFFF;
	(pc) =	sbr.abs _section_cstart, $3  }
0xca: {  	[dreg:$0x1] =	wrdreg $0xFFFFFFFF  }
0xcb: {  	_ =	task.clear_ibuf [dreg:s10], $0x2FFFF;
	_ =	strace $0x9FFFFFFF  }
0xcc: {  	(tm) =	ssettm $0x7FFFFFFF  }
0xcd: {  	_ =	shalt  }
tec
execute0_lowered:
.L_overlay_start_1:
0x0: {  	(tag) =	ssettag $0x1  }
0x1: {  	s21 =	rddreg [dreg:$0x0]  }
0x2: {  	s0 =	rddreg [dreg:$0x1]  }
0x3: {  	s1 =	rddreg [dreg:$0x2]  }
0x4: {  	s2 =	srdreg.scid;
	s22 =	rddreg [dreg:$0x3]  }
0x5: {  	s3 =	rddreg [dreg:$0x4];
	s5 =	stileid.u32;
	s11 =	simm.s32 $0x0  }
0x6: {  	s16 =	simm.s32 $0x400;
	s17 =	simm.s32 $0x800;
	s18 =	simm.s32 $0x3800  }
0x7: {  	s19 =	simm.s32 $0x1;
	s20 =	simm.s32 $0xD800;
	s23 =	simm.s32 $0xE800  }
0x8: {  	s24 =	simm.s32 $0x6800;
	s25 =	simm.s32 $0x2;
	s2 =	sand.u32 $0x1, s2  }
0x9: {  	[smem:$0x7FF] =	sst s11;
	s30 =	sadd.s32 $0xC00, s0;
	s4 =	sshll.u32 s2, $0x4  }
0xa: {  	s2 =	ssub.s32 $0x2, s2;
	_ =	strace $0x80000047;
	s4 =	sor.u32 s5, s4  }
0xb: {  	s6 =	sshrl.u32 s2, $0x1;
	s7 =	smul.u32 $0x2C, s4;
	s8 =	sshll.u32 s4, $0x2  }
0xc: {  	s2 =	ssub.s32 s2, s6;
	s9 =	sshll.u32 s4, $0xC;
	s1 =	sadd.s32 s1, s8  }
0xd: {  	s10 =	smul.u32 $0xC000, s4;
	s26 =	sadd.s32 s30, s9;
	[dreg:$0x6] =	wrdreg s1  }
0xe: {  	s6 =	sshll.u32 s4, $0x5;
	s31 =	smax.u32 s2, $0x1;
	[dreg:$0x7] =	wrdreg s26  }
0xf: {  	v0 =	vlaneseq.u32;
	s4 =	simm.s32 $0x80;
	s28 =	sadd.s32 s21, s10;
	[dreg:$0xb] =	wrdreg s31  }
0x10: {  	v1 =	vmul.u32 $0x3, v0;
	s0 =	sadd.s32 s7, s0;
	s29 =	sadd.s32 s3, s7;
	[dreg:$0x8] =	wrdreg s28  }
0x11: {  	s2 =	simm.s32 $0x5;
	[dreg:$0x9] =	wrdreg s29;
	s0 =	sadd.s32 $0x20C00, s0  }
0x12: {  	v2 =	vimm.s32 $0x0;
	v3 =	vadd.s32 $0x1, v1;
	v4 =	vadd.s32 $0x2, v1;
	s26 =	simm.s32 $0x9800;
	s1 =	simm.s32 $0x0;
	[dreg:$0xa] =	wrdreg s0  }
.LBB2_1:
0x13: {  	[dreg:$0xc] =	wrdreg s1  }
0x14: {  	s0 =	rddreg [dreg:$0x6];
	s15 =	simm.s32 $0xE880  }
0x15: {  	[tilespmem:s15], [sflag:$0x5] =	stream.linear.gather [hbm4b:s0+s11], $0x20, $0x38;
	[tilespmem:$0xEC00] =	vst v63  }
0x16: {  	_ =	swait.ge [sflag:s2], $0x20  }
0x17: {  	[sflag:s2] =	ssyncset.done $0x0  }
0x18: {  	s28 =	rddreg [dreg:$0x7];
	[sflag:s2] =	ssyncadd.s32 $0xFFFFFFE0  }
0x19: {  	[tilespmem:s11], [sflag:$0x1] =	stream.strided.gather [hbm4b:s28+s4], $0x400, s16, s4, $0x38;
	[tilespmem:$0xEC00] =	vst v63  }
0x1a: {  	s31 =	simm.s32 $0x0;
	s29 =	rddreg [dreg:$0x8]  }
0x1b: {  	[tilespmem:s17], [sflag:$0x1] =	stream.strided.gather [hbm4b:s29+s4], $0x3000, s16, s4, $0x38;
	[tilespmem:$0xEC00] =	vst v63  }
.LBB2_2:
0x1c: {  	s7 =	sshll.u32 s31, $0x1  }
0x1d: {  	s2 =	sshllo.u32 s31, $0x1;
	s0 =	sor.u32 s6, s7  }
0x1e: {  	s1 =	sshll.u32 s2, $0x7;
	s0 =	sshrl.u32 s0, $0x3  }
0x1f: {  	s1 =	sand.u32 $0x380, s1;
	s3 =	sshll.u32 s0, $0xD;
	s8 =	smul.u32 $0x18000, s0  }
0x20: {  	s3 =	sor.u32 s1, s3  }
0x21: {  	s3 =	sshrl.u32 s3, $0x3;
	s0 =	sor.u32 s1, s8  }
0x22: {  	s3 =	sadd.s32 s30, s3;
	s1 =	sshrl.u32 s0, $0x3  }
0x23: {  	[tilespmem:s16], [sflag:$0x2] =	stream.strided.gather [hbm4b:s3+s4], $0x400, s16, s4, $0x38;
	[tilespmem:$0xEC00] =	vst v63  }
0x24: {  	s29 =	simm.s32 $0x400;
	s0 =	sadd.s32 s21, s1  }
0x25: {  	v5 =	vmov s7;
	[tilespmem:s18], [sflag:$0x2] =	stream.strided.gather [hbm4b:s0+s4], $0x3000, s29, s4, $0x38;
	[tilespmem:$0xEC00] =	vst v63  }
0x26: {  	v5 =	vbroadcast v5, $0x0;
	_ =	swait.ge [sflag:s19], $0x400  }
0x27: {  	[sflag:s19] =	ssyncset.done $0x0  }
0x28: {  	[sflag:s19] =	ssyncadd.s32 $0xFFFFFC00  }
0x29: {  	_ =	swait.ge [sflag:s19], $0x3000  }
0x2a: {  	s15 =	smov.u32 s6;
	s6 =	smov.u32 s30;
	[sflag:s19] =	ssyncset.done $0x0  }
0x2b: {  	s30 =	simm.s32 $0xE880;
	s0 =	simm.s32 $0xD840;
	[sflag:s19] =	ssyncadd.s32 $0xFFFFD000  }
0x2c: {  	v5 =	vld.idx.msk [tilespmem:v5+s30+$0x0], $0xffff;
	[tilespmem:s0+$0xFFFFFFC0] =	vst v2  }
0x2d: {  	[tilespmem:s0+$0x30] =	vst v2  }
0x2e: {  	[tilespmem:s0+$0x20] =	vst v2  }
0x2f: {  	[tilespmem:s0+$0x10] =	vst v2  }
0x30: {  	[tilespmem:s0+$0x0] =	vst v2  }
0x31: {  	s5 =	smov.u32 s22;
	s22 =	smov.u32 s21;
	[tilespmem:s0+$0xFFFFFFF0] =	vst v2  }
0x32: {  	s9 =	simm.s32 $0xC800;
	s16 =	simm.s32 $0x80;
	s3 =	simm.s32 $0x0;
	[tilespmem:s0+$0xFFFFFFE0] =	vst v2  }
.LBB2_3:
0x33: {  	s3 =	sadd.s32 $0x8, s3;
	[tilespmem:s0+$0xFFFFFFD0] =	vst v2;
	s0 =	sadd.s32 $0x80, s0  }
0x34: {  	[tilespmem:s0+$0xFFFFFFC0] =	vst v2;
	p0 =	slt.u32 s3, $0xF8  }
0x35: {  	[tilespmem:s0+$0x30] =	vst v2  }
.Ltmp0:
0x36: {  	[tilespmem:s0+$0x20] =	vst v2;
	(pc) =	sbr.rel @p0 .LBB2_3-.Ltmp0, $4  }
0x37: {  	[tilespmem:s0+$0x10] =	vst v2  }
0x38: {  	[tilespmem:s0+$0x0] =	vst v2  }
0x39: {  	[tilespmem:s0+$0xFFFFFFF0] =	vst v2  }
0x3a: {  	[tilespmem:s0+$0xFFFFFFE0] =	vst v2  }
0x3b: {  	[tilespmem:s0+$0xFFFFFFD0] =	vst v2;
	s21 =	simm.s32 $0x0  }
0x3c: {  	v6 =	vld [tilespmem:s21+$0x0];
	_ =	sdelay $0x3  }
0x3d: {  	v7 =	vor.u32 s21, v0  }
0x3e: {  	vm0 =	vlt.s32 v7, v5;
	v7 =	vand.u32 $0xFF, v6  }
0x3f: {  	v10 =	vnsel vm0, $0xB, v7  }
0x40: {  	s13 =	simm.s32 $0x400;
	(xrf1) =	vunique.msk.u32 $0xffff, v10  }
0x41: {  	v8 =	vor.u32 s13, v0;
	v7 =	vshrl.u32 v6, $0x8  }
0x42: {  	s3 =	simm.s32 $0x800;
	vm0 =	vlt.s32 v8, v5;
	v7 =	vand.u32 $0xFF, v7  }
0x43: {  	v8 =	vor.u32 s3, v0;
	v11 =	vnsel vm0, $0xB, v7;
	v7 =	vshrl.u32 v6, $0x10  }
0x44: {  	s28 =	simm.s32 $0xC00;
	vm0 =	vlt.s32 v8, v5;
	(xrf1) =	vunique.msk.u32 $0xffff, v11;
	v7 =	vand.u32 $0xFF, v7  }
0x45: {  	s29 =	simm.s32 $0x10;
	v12 =	vnsel vm0, $0xB, v7;
	v7 =	vor.u32 s28, v0  }
0x46: {  	v13 =	vld [tilespmem:s29+$0x0];
	v6 =	vshrl.u32 v6, $0x18;
	vm0 =	vlt.s32 v7, v5;
	(xrf1) =	vunique.msk.u32 $0xffff, v12  }
0x47: {  	v16 =	vnsel vm0, $0xB, v6  }
0x48: {  	(xrf1) =	vunique.msk.u32 $0xffff, v16  }
0x49: {  	s4 =	simm.s32 $0x410;
	s11 =	simm.s32 $0x810;
	v6 =	vor.u32 s29, v0  }
0x4a: {  	v14 =	vor.u32 s11, v0;
	vm0 =	vlt.s32 v6, v5;
	v6 =	vor.u32 s4, v0  }
0x4b: {  	v7 =	vand.u32 $0xFF, v13;
	vm1 =	vlt.s32 v6, v5;
	v6 =	vshrl.u32 v13, $0x8  }
0x4c: {  	v8 =	vnsel vm0, $0xB, v7;
	v7 =	vshrl.u32 v13, $0x10;
	v6 =	vand.u32 $0xFF, v6  }
0x4d: {  	s14 =	simm.s32 $0xC10;
	vm0 =	vlt.s32 v14, v5;
	v9 =	vnsel vm1, $0xB, v6;
	v6 =	vand.u32 $0xFF, v7  }
0x4e: {  	v17 =	vshll.u32 v10, $0x4;
	v7 =	vnsel vm0, $0xB, v6;
	v6 =	vor.u32 s14, v0;
	_, v14, vm1 =	vpop (xrf1);
	(xrf1) =	vunique.msk.u32 $0xffff, v8  }
0x4f: {  	v19 =	vadd.s32 s13, v11;
	v13 =	vshrl.u32 v13, $0x18;
	vm0 =	vlt.s32 v6, v5  }
0x50: {  	v11 =	vshll.u32 v11, $0x4;
	v6 =	vnsel vm0, $0xB, v13;
	(xrf1) =	vunique.msk.u32 $0xffff, v9;
	v13 =	vadd.s32 v14, v17  }
0x51: {  	v15 =	vadd.s32 s21, v10;
	v13 =	vadd.s32 $0xFFFFFFFF, v13  }
0x52: {  	s10 =	simm.s32 $0x20;
	_, v18, vm4 =	vpop (xrf1);
	(xrf1) =	vunique.msk.u32 $0xffff, v7;
	[tilespmem:s9+$0x0] =	vst v13;
	v13 =	vadd.s32 s3, v12;
	v12 =	vshll.u32 v12, $0x4  }
0x53: {  	v10 =	vld [tilespmem:s10+$0x0];
	v17 =	vor.u32 s10, v0  }
0x54: {  	vm2 =	vlt.s32 v17, v5;
	(xrf1) =	vunique.msk.u32 $0xffff, v6;
	v17 =	vadd.s32 v18, v11;
	_, v11, vm0 =	vpop (xrf1)  }
0x55: {  	s12 =	simm.s32 $0x420;
	s0 =	sand.u32 $0x70, s21;
	s13 =	sand.u32 $0x780, s13  }
0x56: {  	v20 =	vor.u32 s12, v0;
	s13 =	sor.u32 s0, s13;
	[tilespmem:v15+s20+$0x0] =	vst.idx.msk vm1, v14;
	v14 =	vadd.s32 $0xFFFFFFFF, v17;
	v15 =	vadd.s32 v11, v12;
	_, v12, vm1 =	vpop (xrf1)  }
0x57: {  	vm3 =	vlt.s32 v20, v5;
	s3 =	sand.u32 $0xB80, s3;
	[tilespmem:s13+$0xC800] =	vst v14;
	v14 =	vadd.s32 s28, v16  }
0x58: {  	s30 =	simm.s32 $0x30;
	v17 =	vand.u32 $0xFF, v10;
	v15 =	vadd.s32 $0xFFFFFFFF, v15;
	s13 =	sor.u32 s0, s3;
	v16 =	vshll.u32 v16, $0x4;
	s3 =	simm.s32 $0x20;
	[tilespmem:v19+s20+$0x0] =	vst.idx.msk vm4, v18  }
.LBB2_5:
0x59: {  	p0 =	sne.s32 s30, $0x3F0;
	v17 =	vnsel vm2, $0xB, v17;
	v18 =	vshrl.u32 v10, $0x8;
	[tilespmem:s13+$0xC800] =	vst v15;
	v15 =	vadd.s32 v12, v16;
	s21 =	sand.u32 $0xF80, s28;
	s28 =	smov.u32 s14  }
0x5a: {  	s13 =	sadd.s32 $0x800, s10;
	v19 =	vand.u32 $0xFF, v18;
	(xrf1) =	vunique.msk.u32 $0xffff, v17;
	[tilespmem:v13+s20+$0x0] =	vst.idx.msk vm0, v11;
	v11 =	vadd.s32 $0xFFFFFFFF, v15;
	s0 =	sor.u32 s0, s21  }
0x5b: {  	v13 =	vshrl.u32 v10, $0x10;
	v18 =	vor.u32 s13, v0;
	v15 =	vnsel vm3, $0xB, v19;
	[tilespmem:s0+$0xC800] =	vst v11  }
0x5c: {  	s14 =	sadd.s32 $0xC00, s10;
	v11 =	vand.u32 $0xFF, v13;
	vm0 =	vlt.s32 v18, v5;
	(xrf1) =	vunique.msk.u32 $0xffff, v15;
	_, v16, vm3 =	vpop (xrf1);
	[tilespmem:v14+s20+$0x0] =	vst.idx.msk vm1, v12  }
0x5d: {  	v23 =	vor.u32 s14, v0;
	v18 =	vnsel vm0, $0xB, v11;
	v12 =	vadd.s32 s29, v8  }
0x5e: {  	s3 =	sadd.s32 $0x10, s3;
	v13 =	vshrl.u32 v10, $0x18;
	vm0 =	vlt.s32 v23, v5;
	v14 =	vshll.u32 v8, $0x4;
	(xrf1) =	vunique.msk.u32 $0xffff, v18;
	_, v19, vm4 =	vpop (xrf1)  }
0x5f: {  	v21 =	vadd.s32 s4, v9;
	v8 =	vmovc v17;
	v20 =	vnsel vm0, $0xB, v13;
	v22 =	vadd.s32 v16, v14;
	v10 =	vld [tilespmem:s3+$0x0]  }
.Ltmp1:
0x60: {  	s9 =	sadd.s32 $0x10, s9;
	v17 =	vshll.u32 v9, $0x4;
	v13 =	vor.u32 s30, v0;
	v14 =	vadd.s32 $0xFFFFFFFF, v22;
	(xrf1) =	vunique.msk.u32 $0xffff, v20;
	_, v11, vm0 =	vpop (xrf1);
	(pc) =	sbr.rel @p0 .LBB2_5-.Ltmp1, $4  }
0x61: {  	s4 =	sand.u32 $0x780, s4;
	s21 =	sadd.s32 $0x400, s30;
	s0 =	sand.u32 $0x70, s29;
	v9 =	vmovc v15;
	vm2 =	vlt.s32 v13, v5;
	v13 =	vadd.s32 s11, v7;
	[tilespmem:s9+$0x0] =	vst v14;
	v14 =	vadd.s32 v19, v17  }
0x62: {  	v15 =	vor.u32 s21, v0;
	s29 =	sor.u32 s0, s4;
	s4 =	smov.u32 s12;
	s12 =	smov.u32 s21;
	[tilespmem:v12+s20+$0x0] =	vst.idx.msk vm3, v16;
	v14 =	vadd.s32 $0xFFFFFFFF, v14;
	v16 =	vshll.u32 v7, $0x4;
	_, v12, vm1 =	vpop (xrf1)  }
0x63: {  	s21 =	sand.u32 $0xB80, s11;
	s11 =	smov.u32 s13;
	vm3 =	vlt.s32 v15, v5;
	v7 =	vmovc v18;
	[tilespmem:s29+$0xC800] =	vst v14;
	v15 =	vadd.s32 v11, v16;
	v14 =	vadd.s32 s28, v6;
	s29 =	smov.u32 s10  }
0x64: {  	s13 =	sor.u32 s0, s21;
	v16 =	vshll.u32 v6, $0x4;
	v6 =	vmovc v20;
	s10 =	smov.u32 s30;
	s30 =	sadd.s32 $0x10, s30;
	v17 =	vand.u32 $0xFF, v10;
	[tilespmem:v21+s20+$0x0] =	vst.idx.msk vm4, v19;
	v15 =	vadd.s32 $0xFFFFFFFF, v15  }
0x65: {  	v17 =	vnsel vm2, $0xB, v17;
	v18 =	vshrl.u32 v10, $0x8  }
0x66: {  	s30 =	sadd.s32 $0x800, s10;
	v18 =	vand.u32 $0xFF, v18;
	(xrf1) =	vunique.msk.u32 $0xffff, v17  }
0x67: {  	v19 =	vshrl.u32 v10, $0x10;
	v20 =	vor.u32 s30, v0;
	v18 =	vnsel vm3, $0xB, v18  }
0x68: {  	s3 =	sadd.s32 $0xC00, s10;
	v10 =	vshrl.u32 v10, $0x18;
	v19 =	vand.u32 $0xFF, v19;
	vm10 =	vlt.s32 v20, v5;
	(xrf1) =	vunique.msk.u32 $0xffff, v18  }
0x69: {  	v59 =	vor.u32 s3, v0;
	v19 =	vnsel vm10, $0xB, v19  }
0x6a: {  	vm11 =	vlt.s32 v59, v5;
	(xrf1) =	vunique.msk.u32 $0xffff, v19  }
0x6b: {  	v5 =	vnsel vm11, $0xB, v10  }
0x6c: {  	_, v10, vm2 =	vpop (xrf1);
	(xrf1) =	vunique.msk.u32 $0xffff, v5  }
0x6d: {  	[tilespmem:s13+$0xC800] =	vst v15;
	v60 =	vadd.s32 v12, v16;
	s28 =	sand.u32 $0xF80, s28;
	v61 =	vadd.s32 s29, v8  }
0x6e: {  	v8 =	vshll.u32 v8, $0x4;
	s0 =	sor.u32 s0, s28;
	[tilespmem:v13+s20+$0x0] =	vst.idx.msk vm0, v11;
	v11 =	vadd.s32 $0xFFFFFFFF, v60;
	_, v62, vm12 =	vpop (xrf1)  }
0x6f: {  	[tilespmem:s0+$0xC800] =	vst v11;
	v11 =	vadd.s32 s4, v9;
	v8 =	vadd.s32 v10, v8  }
0x70: {  	s21 =	sadd.s32 $0x10, s9;
	v9 =	vshll.u32 v9, $0x4;
	[tilespmem:v14+s20+$0x0] =	vst.idx.msk vm1, v12;
	v8 =	vadd.s32 $0xFFFFFFFF, v8;
	_, v63, vm13 =	vpop (xrf1)  }
0x71: {  	s29 =	sand.u32 $0x70, s29;
	s28 =	sand.u32 $0x780, s4;
	[tilespmem:s21+$0x0] =	vst v8;
	v8 =	vadd.s32 v62, v9;
	v9 =	vadd.s32 s11, v7  }
0x72: {  	s4 =	sor.u32 s29, s28;
	v7 =	vshll.u32 v7, $0x4;
	v8 =	vadd.s32 $0xFFFFFFFF, v8;
	[tilespmem:v61+s20+$0x0] =	vst.idx.msk vm2, v10;
	_, v10, vm14 =	vpop (xrf1)  }
0x73: {  	s13 =	sand.u32 $0xB80, s11;
	v7 =	vadd.s32 v63, v7;
	[tilespmem:s4+$0xC800] =	vst v8;
	v8 =	vadd.s32 s14, v6  }
0x74: {  	v7 =	vadd.s32 $0xFFFFFFFF, v7;
	s4 =	sor.u32 s29, s13;
	v6 =	vshll.u32 v6, $0x4;
	[tilespmem:v11+s20+$0x0] =	vst.idx.msk vm12, v62;
	_, v11, vm15 =	vpop (xrf1)  }
0x75: {  	s14 =	sand.u32 $0xF80, s14;
	v6 =	vadd.s32 v10, v6;
	[tilespmem:s4+$0xC800] =	vst v7;
	v7 =	vadd.s32 s10, v17  }
0x76: {  	v6 =	vadd.s32 $0xFFFFFFFF, v6;
	s4 =	sor.u32 s29, s14;
	[tilespmem:v9+s20+$0x0] =	vst.idx.msk vm13, v63;
	v9 =	vshll.u32 v17, $0x4;
	_, v12, vm0 =	vpop (xrf1)  }
0x77: {  	[tilespmem:s4+$0xC800] =	vst v6;
	v6 =	vadd.s32 v11, v9;
	v9 =	vadd.s32 s12, v18  }
0x78: {  	s0 =	sadd.s32 $0x10, s21;
	[tilespmem:v8+s20+$0x0] =	vst.idx.msk vm14, v10;
	v8 =	vshll.u32 v18, $0x4;
	v6 =	vadd.s32 $0xFFFFFFFF, v6;
	_, v10, vm1 =	vpop (xrf1)  }
0x79: {  	s28 =	sand.u32 $0x70, s10;
	s21 =	sand.u32 $0x780, s12;
	[tilespmem:s0+$0x0] =	vst v6;
	v6 =	vadd.s32 v12, v8;
	v8 =	vadd.s32 s30, v19  }
0x7a: {  	s0 =	sor.u32 s28, s21;
	v6 =	vadd.s32 $0xFFFFFFFF, v6;
	[tilespmem:v7+s20+$0x0] =	vst.idx.msk vm15, v11;
	v7 =	vshll.u32 v19, $0x4;
	_, v11, vm2 =	vpop (xrf1)  }
0x7b: {  	s29 =	sand.u32 $0xB80, s30;
	[tilespmem:s0+$0xC800] =	vst v6;
	v6 =	vadd.s32 v10, v7;
	v7 =	vadd.s32 s3, v5  }
0x7c: {  	s0 =	sor.u32 s28, s29;
	v5 =	vshll.u32 v5, $0x4;
	[tilespmem:v9+s20+$0x0] =	vst.idx.msk vm0, v12;
	v6 =	vadd.s32 $0xFFFFFFFF, v6  }
0x7d: {  	s30 =	sand.u32 $0xF80, s3;
	v5 =	vadd.s32 v11, v5;
	[tilespmem:s0+$0xC800] =	vst v6  }
0x7e: {  	v5 =	vadd.s32 $0xFFFFFFFF, v5;
	s0 =	sor.u32 s28, s30;
	[tilespmem:v8+s20+$0x0] =	vst.idx.msk vm1, v10  }
0x7f: {  	[tilespmem:s0+$0xC800] =	vst v5  }
0x80: {  	s3 =	simm.s32 $0xD820;
	[tilespmem:v7+s20+$0x0] =	vst.idx.msk vm2, v11  }
0x81: {  	v5 =	vld [tilespmem:s3+$0xFFFFFFE0]  }
0x82: {  	v6 =	vld [tilespmem:s3+$0xFFFFFFF0]  }
0x83: {  	v9 =	vld [tilespmem:s3+$0x0];
	_ =	sdelay $0x1  }
0x84: {  	v8 =	vimm.s32 $0x0;
	v7 =	vld [tilespmem:s3+$0x10]  }
0x85: {  	s0 =	simm.s32 $0xD860;
	[tilespmem:s3+$0xFFFFFFE0] =	vst v8;
	v8 =	vadd.s32 v8, v5  }
0x86: {  	v5 =	vld [tilespmem:s0+$0xFFFFFFE0];
	[tilespmem:s3+$0xFFFFFFF0] =	vst v8;
	v8 =	vadd.s32 v8, v6  }
0x87: {  	s4 =	simm.s32 $0x4;
	v6 =	vld [tilespmem:s0+$0xFFFFFFF0];
	[tilespmem:s3+$0x0] =	vst v8;
	v8 =	vadd.s32 v8, v9  }
.LBB2_7:
0x88: {  	s4 =	sadd.s32 $0x4, s4  }
0x89: {  	v9 =	vld [tilespmem:s0+$0x0];
	[tilespmem:s3+$0x10] =	vst v8;
	v8 =	vadd.s32 v8, v7;
	s3 =	smov.u32 s0;
	p0 =	slt.u32 s4, $0xFC  }
.Ltmp2:
0x8a: {  	[tilespmem:s0+$0xFFFFFFE0] =	vst v8;
	v7 =	vld [tilespmem:s0+$0x10];
	(pc) =	sbr.rel @p0 .LBB2_7-.Ltmp2, $4  }
0x8b: {  	_ = 	snop  }
0x8c: {  	s0 =	sadd.s32 $0x40, s0;
	v8 =	vadd.s32 v8, v5  }
0x8d: {  	v5 =	vld [tilespmem:s0+$0xFFFFFFE0];
	[tilespmem:s3+$0xFFFFFFF0] =	vst v8;
	v8 =	vadd.s32 v8, v6  }
0x8e: {  	v6 =	vld [tilespmem:s0+$0xFFFFFFF0];
	[tilespmem:s3+$0x0] =	vst v8;
	v8 =	vadd.s32 v8, v9  }
0x8f: {  	v9 =	vld [tilespmem:s0+$0x0];
	[tilespmem:s3+$0x10] =	vst v8  }
0x90: {  	v7 =	vadd.s32 v8, v7;
	v8 =	vld [tilespmem:s0+$0x10];
	_ =	sdelay $0x1  }
0x91: {  	v5 =	vadd.s32 v7, v5  }
0x92: {  	v6 =	vadd.s32 v5, v6  }
0x93: {  	[tilespmem:s0+$0xFFFFFFE0] =	vst v7;
	v7 =	vadd.s32 v6, v9  }
0x94: {  	v8 =	vadd.s32 v7, v8  }
0x95: {  	(xrf0) =	vadd.scan.msk.s32 $0xffff, v8;
	_ =	sdelay $0x1  }
0x96: {  	s28 =	smul.u32 $0x16, s31;
	_ =	sdelay $0x1  }
0x97: {  	v9 =	vadd.s32 s28, v0  }
0x98: {  	[tilespmem:s0+$0xFFFFFFF0] =	vst v5  }
0x99: {  	[tilespmem:s0+$0x0] =	vst v6;
	v5, _, _ =	vpop (xrf0)  }
0x9a: {  	[tilespmem:s0+$0x10] =	vst v7;
	v5 =	vsub.s32 v5, v8  }
0x9b: {  	s29 =	simm.s32 $0xE900;
	[tilespmem:$0xE800] =	vst v5  }
0x9c: {  	p0 =	seq.s32 s31, $0x0;
	s3 =	simm.s32 $0xEA80;
	[tilespmem:v9+s29+$0x0] =	vst.idx.msk $0x7ff, v8  }
0x9d: {  	s0 =	simm.s32 @!p0 $0x3;
	[tilespmem:v9+s3+$0x0] =	vst.idx.msk $0x7ff, v5  }
0x9e: {  	_ =	swait.ge @!p0 [sflag:s0], $0x3000  }
0x9f: {  	[sflag:s0] =	ssyncset.done @!p0 $0x0  }
0xa0: {  	s4 =	simm.s32 $0xC800;
	[sflag:s0] =	ssyncadd.s32 @!p0 $0xFFFFD000  }
0xa1: {  	v5 =	vld [tilespmem:s4+$0x0];
	_ =	sdelay $0x3  }
0xa2: {  	s9 =	simm.s32 $0xC810  }
0xa3: {  	s10 =	simm.s32 $0x0;
	v6 =	vld [tilespmem:s9+$0x0];
	v11 =	vshra.s32 v5, $0x4  }
0xa4: {  	v7 =	vadd.s32 s10, v11;
	_ =	sdelay $0x1  }
0xa5: {  	s11 =	simm.s32 $0xC820;
	v10 =	vadd.s32 s10, v1  }
0xa6: {  	v15 =	vadd.s32 s10, v3;
	v9 =	vld [tilespmem:s11+$0x0]  }
0xa7: {  	v8 =	vshra.s32 v6, $0x4;
	v12 =	vld.idx.msk [tilespmem:v11+s23+$0x0], $0xffff  }
0xa8: {  	s12 =	simm.s32 $0x10;
	v13 =	vld.idx.msk [tilespmem:v7+s20+$0x0], $0xffff  }
0xa9: {  	v14 =	vadd.s32 s12, v8  }
0xaa: {  	v16 =	vadd.s32 s10, v4;
	v18 =	vld.idx.msk [tilespmem:v10+s17+$0x0], $0xffff  }
0xab: {  	s14 =	simm.s32 $0x30;
	v21 =	vld.idx.msk [tilespmem:v15+s17+$0x0], $0xffff;
	v5 =	vand.u32 $0xF, v5  }
0xac: {  	s13 =	simm.s32 $0xC830;
	v10 =	vadd.s32 s14, v1;
	v17 =	vld.idx.msk [tilespmem:v8+s23+$0x0], $0xffff;
	v12 =	vadd.s32 v12, v5  }
0xad: {  	s21 =	simm.s32 $0x20;
	v7 =	vld [tilespmem:s13+$0x0];
	v5 =	vshra.s32 v9, $0x4;
	v12 =	vadd.s32 v13, v12  }
0xae: {  	v19 =	vld.idx.msk [tilespmem:v14+s20+$0x0], $0xffff;
	v13 =	vadd.s32 s21, v5;
	v22 =	vmul.u32 $0x3, v12  }
0xaf: {  	v23 =	vadd.s32 s14, v3;
	s28 =	simm.s32 $0xC840;
	v24 =	vld.idx.msk [tilespmem:v16+s17+$0x0], $0xffff  }
0xb0: {  	v25 =	vadd.s32 s14, v4;
	v14 =	vld [tilespmem:s28+$0x0];
	v26 =	vadd.s32 $0x1, v22  }
0xb1: {  	s0 =	simm.s32 $0x60;
	v6 =	vand.u32 $0xF, v6;
	v12 =	vld.idx.msk [tilespmem:v10+s17+$0x0], $0xffff;
	v10 =	vadd.s32 $0x2, v22  }
0xb2: {  	s29 =	sshll.u32 s31, $0x8;
	v15 =	vadd.s32 s0, v1;
	vm0 =	vlt.s32 v11, $0xB;
	v11 =	vadd.s32 v17, v6;
	v16 =	vld.idx.msk [tilespmem:v5+s23+$0x0], $0xffff  }
0xb3: {  	s3 =	sand.u32 $0x300, s29;
	s9 =	simm.s32 $0x30;
	v6 =	vshra.s32 v7, $0x4;
	v11 =	vadd.s32 v19, v11;
	v17 =	vld.idx.msk [tilespmem:v13+s20+$0x0], $0xffff;
	v13 =	vnsel vm0, $0x0, v18  }
0xb4: {  	s30 =	smov.u32 s6;
	s4 =	sor.u32 s3, s8;
	s8 =	simm.s32 $0x40;
	v20 =	vadd.s32 s9, v6;
	v18 =	vld.idx.msk [tilespmem:v23+s17+$0x0], $0xffff;
	v23 =	vnsel vm0, $0x0, v21;
	[tilespmem:v22+s24+$0x0] =	vst.idx.msk $0xffff, v13;
	v13 =	vmul.u32 $0x3, v11  }
0xb5: {  	s3 =	simm.s32 $0xC850;
	v19 =	vadd.s32 s0, v3;
	s21 =	smov.u32 s22;
	s9 =	simm.s32 $0x50;
	v21 =	vnsel vm0, $0x0, v24;
	v11 =	vld.idx.msk [tilespmem:v25+s17+$0x0], $0xffff;
	[tilespmem:v26+s24+$0x0] =	vst.idx.msk $0xffff, v23  }
.LBB2_9:
0xb6: {  	v22 =	vld [tilespmem:s3+$0x0];
	v23 =	vadd.s32 s0, v4;
	v24 =	vadd.s32 $0x1, v13;
	[tilespmem:v10+s24+$0x0] =	vst.idx.msk $0xffff, v21;
	p1 =	sne.s32 s9, $0xFF0  }
.Ltmp3:
0xb7: {  	v21 =	vand.u32 $0xF, v9;
	s0 =	sadd.s32 $0x30, s0;
	v10 =	vadd.s32 $0x2, v13;
	v9 =	vmovc v7;
	v7 =	vmovc v14;
	v14 =	vmov v12;
	v12 =	vld.idx.msk [tilespmem:v15+s17+$0x0], $0xffff;
	(pc) =	sbr.rel @p1 .LBB2_9-.Ltmp3, $4  }
0xb8: {  	vm0 =	vlt.s32 v8, $0xB;
	v8 =	vmovc v5;
	v5 =	vmovc v6;
	v15 =	vadd.s32 s0, v1;
	v21 =	vadd.s32 v16, v21;
	v16 =	vld.idx.msk [tilespmem:v6+s23+$0x0], $0xffff  }
0xb9: {  	v26 =	vnsel vm0, $0x0, v14;
	v6 =	vshra.s32 v7, $0x4;
	v21 =	vadd.s32 v17, v21;
	v17 =	vld.idx.msk [tilespmem:v20+s20+$0x0], $0xffff  }
0xba: {  	v20 =	vadd.s32 s8, v6;
	v25 =	vnsel vm0, $0x0, v18;
	s8 =	smov.u32 s9;
	v18 =	vld.idx.msk [tilespmem:v19+s17+$0x0], $0xffff;
	[tilespmem:v13+s24+$0x0] =	vst.idx.msk $0xffff, v26;
	v13 =	vmul.u32 $0x3, v21  }
0xbb: {  	s3 =	sadd.s32 $0x10, s3;
	s9 =	sadd.s32 $0x10, s9;
	v19 =	vadd.s32 s0, v3;
	v21 =	vnsel vm0, $0x0, v11;
	v11 =	vld.idx.msk [tilespmem:v23+s17+$0x0], $0xffff;
	[tilespmem:v24+s24+$0x0] =	vst.idx.msk $0xffff, v25;
	v14 =	vmov v22  }
0xbc: {  	_ =	sdelay $0x1  }
0xbd: {  	v22 =	vshra.s32 v14, $0x4  }
0xbe: {  	v23 =	vadd.s32 s8, v22  }
0xbf: {  	v24 =	vadd.s32 s0, v4;
	v9 =	vand.u32 $0xF, v9;
	v25 =	vld.idx.msk [tilespmem:v6+s23+$0x0], $0xffff  }
0xc0: {  	v26 =	vadd.s32 $0x1, v13;
	s22 =	sadd.s32 $0x30, s0;
	v27 =	vadd.s32 $0x2, v13;
	v42 =	vld.idx.msk [tilespmem:v20+s20+$0x0], $0xffff;
	vm0 =	vlt.s32 v8, $0xB  }
0xc1: {  	v15 =	vld.idx.msk [tilespmem:v15+s17+$0x0], $0xffff;
	v7 =	vand.u32 $0xF, v7;
	v9 =	vadd.s32 v16, v9;
	v43 =	vadd.s32 s22, v1  }
0xc2: {  	v54 =	vand.u32 $0xF, v14;
	v46 =	vadd.s32 s22, v3;
	v44 =	vadd.s32 v17, v9;
	v47 =	vld.idx.msk [tilespmem:v22+s23+$0x0], $0xffff  }
0xc3: {  	v45 =	vnsel vm0, $0x0, v12;
	v28 =	vadd.s32 s22, v4;
	s0 =	sadd.s32 $0x30, s22;
	v8 =	vmul.u32 $0x3, v44;
	v23 =	vld.idx.msk [tilespmem:v23+s20+$0x0], $0xffff  }
0xc4: {  	v19 =	vld.idx.msk [tilespmem:v19+s17+$0x0], $0xffff;
	v48 =	vadd.s32 s0, v1;
	v51 =	vadd.s32 s0, v3;
	v7 =	vadd.s32 v25, v7  }
0xc5: {  	[tilespmem:v10+s24+$0x0] =	vst.idx.msk $0xffff, v21;
	v53 =	vadd.s32 s0, v4;
	v29 =	vadd.s32 $0x1, v8;
	v49 =	vld.idx.msk [tilespmem:v24+s17+$0x0], $0xffff;
	v7 =	vadd.s32 v42, v7  }
0xc6: {  	[tilespmem:v13+s24+$0x0] =	vst.idx.msk $0xffff, v45;
	v18 =	vnsel vm0, $0x0, v18;
	v50 =	vadd.s32 $0x2, v8;
	v52 =	vld.idx.msk [tilespmem:v43+s17+$0x0], $0xffff;
	v7 =	vmul.u32 $0x3, v7  }
0xc7: {  	vm13 =	vlt.s32 v5, $0xB;
	v11 =	vnsel vm0, $0x0, v11;
	[tilespmem:v26+s24+$0x0] =	vst.idx.msk $0xffff, v18;
	v5 =	vld.idx.msk [tilespmem:v46+s17+$0x0], $0xffff;
	v14 =	vadd.s32 v47, v54  }
0xc8: {  	v55 =	vnsel vm13, $0x0, v15;
	[tilespmem:v27+s24+$0x0] =	vst.idx.msk $0xffff, v11;
	v56 =	vld.idx.msk [tilespmem:v28+s17+$0x0], $0xffff;
	v57 =	vadd.s32 $0x1, v7;
	v14 =	vadd.s32 v23, v14  }
0xc9: {  	v58 =	vnsel vm13, $0x0, v19;
	v59 =	vld.idx.msk [tilespmem:v48+s17+$0x0], $0xffff;
	[tilespmem:v8+s24+$0x0] =	vst.idx.msk $0xffff, v55;
	v60 =	vadd.s32 $0x2, v7;
	v14 =	vmul.u32 $0x3, v14  }
0xca: {  	vm14 =	vlt.s32 v6, $0xB;
	v6 =	vld.idx.msk [tilespmem:v51+s17+$0x0], $0xffff;
	v10 =	vnsel vm13, $0x0, v49;
	[tilespmem:v29+s24+$0x0] =	vst.idx.msk $0xffff, v58  }
0xcb: {  	v61 =	vld.idx.msk [tilespmem:v53+s17+$0x0], $0xffff;
	[tilespmem:v50+s24+$0x0] =	vst.idx.msk $0xffff, v10;
	v9 =	vnsel vm14, $0x0, v52;
	v62 =	vadd.s32 $0x1, v14  }
0xcc: {  	v5 =	vnsel vm14, $0x0, v5;
	[tilespmem:v7+s24+$0x0] =	vst.idx.msk $0xffff, v9;
	v7 =	vadd.s32 $0x2, v14  }
0xcd: {  	vm15 =	vlt.s32 v22, $0xB;
	v63 =	vnsel vm14, $0x0, v56;
	[tilespmem:v57+s24+$0x0] =	vst.idx.msk $0xffff, v5  }
0xce: {  	v5 =	vnsel vm15, $0x0, v59;
	[tilespmem:v60+s24+$0x0] =	vst.idx.msk $0xffff, v63  }
0xcf: {  	v6 =	vnsel vm15, $0x0, v6;
	[tilespmem:v14+s24+$0x0] =	vst.idx.msk $0xffff, v5  }
0xd0: {  	s28 =	sshrl.u32 s4, $0x3;
	v5 =	vnsel vm15, $0x0, v61;
	[tilespmem:v62+s24+$0x0] =	vst.idx.msk $0xffff, v6  }
0xd1: {  	s3 =	simm.s32 $0x400;
	p1 =	seq.s32 s31, $0xF;
	s0 =	sadd.s32 s5, s28;
	[tilespmem:v7+s24+$0x0] =	vst.idx.msk $0xffff, v5  }
0xd2: {  	[hbm4b:s0+s16] =	stream.strided.scatter [tilespmem:s24], [sflag:$0x3], $0x3000, s3, s16, $0x38;
	[tilespmem:$0xEC00] =	vst v63  }
0xd3: {  	s0 =	sadd.s32 @!p1 $0x2, s7  }
0xd4: {  	s3 =	sadd.s32 @!p1 s15, s0  }
0xd5: {  	s0 =	sshll.u32 @!p1 s0, $0x7;
	s3 =	sshrl.u32 @!p1 s3, $0x3  }
0xd6: {  	s0 =	sand.u32 @!p1 $0x300, s0;
	s4 =	sshll.u32 @!p1 s3, $0xD;
	s3 =	smul.u32 @!p1 $0x18000, s3  }
0xd7: {  	s8 =	simm.s32 @!p1 $0x400;
	s4 =	sor.u32 @!p1 s0, s4  }
0xd8: {  	s9 =	simm.s32 @!p1 $0x0;
	s4 =	sshrl.u32 @!p1 s4, $0x3;
	s0 =	sor.u32 @!p1 s0, s3  }
0xd9: {  	s7 =	simm.s32 @!p1 $0x80;
	s4 =	sadd.s32 @!p1 s30, s4;
	s0 =	sshrl.u32 @!p1 s0, $0x3  }
0xda: {  	[tilespmem:s9], [sflag:$0x1] =	stream.strided.gather @!p1 [hbm4b:s4+s7], $0x400, s8, s7, $0x38;
	[tilespmem:$0xEC00] =	vst v63  }
0xdb: {  	s3 =	simm.s32 @!p1 $0x800;
	s0 =	sadd.s32 @!p1 s21, s0  }
0xdc: {  	[tilespmem:s3], [sflag:$0x1] =	stream.strided.gather @!p1 [hbm4b:s0+s7], $0x3000, s8, s7, $0x38;
	[tilespmem:$0xEC00] =	vst v63  }
0xdd: {  	_ =	swait.ge [sflag:s25], $0x400  }
0xde: {  	v5 =	vmov s2;
	[sflag:s25] =	ssyncset.done $0x0  }
0xdf: {  	[sflag:s25] =	ssyncadd.s32 $0xFFFFFC00  }
0xe0: {  	_ =	swait.ge [sflag:s25], $0x3000  }
0xe1: {  	[sflag:s25] =	ssyncset.done $0x0  }
0xe2: {  	s29 =	simm.s32 $0xE880;
	s0 =	simm.s32 $0xD840;
	[sflag:s25] =	ssyncadd.s32 $0xFFFFD000  }
0xe3: {  	v5 =	vld.idx.msk [tilespmem:v5+s29+$0x0], $0xffff;
	[tilespmem:s0+$0xFFFFFFC0] =	vst v2  }
0xe4: {  	[tilespmem:s0+$0x30] =	vst v2  }
0xe5: {  	[tilespmem:s0+$0x20] =	vst v2  }
0xe6: {  	[tilespmem:s0+$0x10] =	vst v2  }
0xe7: {  	[tilespmem:s0+$0x0] =	vst v2  }
0xe8: {  	s6 =	smov.u32 s15;
	[tilespmem:s0+$0xFFFFFFF0] =	vst v2  }
0xe9: {  	s22 =	smov.u32 s5;
	s16 =	simm.s32 $0x400;
	s3 =	simm.s32 $0x0;
	[tilespmem:s0+$0xFFFFFFE0] =	vst v2  }
.LBB2_11:
0xea: {  	s3 =	sadd.s32 $0x8, s3;
	[tilespmem:s0+$0xFFFFFFD0] =	vst v2;
	s0 =	sadd.s32 $0x80, s0  }
0xeb: {  	[tilespmem:s0+$0xFFFFFFC0] =	vst v2;
	p1 =	slt.u32 s3, $0xF8  }
0xec: {  	[tilespmem:s0+$0x30] =	vst v2  }
.Ltmp4:
0xed: {  	[tilespmem:s0+$0x20] =	vst v2;
	(pc) =	sbr.rel @p1 .LBB2_11-.Ltmp4, $4  }
0xee: {  	[tilespmem:s0+$0x10] =	vst v2  }
0xef: {  	[tilespmem:s0+$0x0] =	vst v2  }
0xf0: {  	[tilespmem:s0+$0xFFFFFFF0] =	vst v2  }
0xf1: {  	s4 =	simm.s32 $0x400;
	s7 =	simm.s32 $0xC800;
	[tilespmem:s0+$0xFFFFFFE0] =	vst v2  }
0xf2: {  	[tilespmem:s0+$0xFFFFFFD0] =	vst v2  }
0xf3: {  	v6 =	vld [tilespmem:s4+$0x0];
	_ =	sdelay $0x2  }
0xf4: {  	s5 =	simm.s32 $0x0  }
0xf5: {  	v7 =	vor.u32 s5, v0  }
0xf6: {  	vm0 =	vlt.s32 v7, v5;
	v7 =	vand.u32 $0xFF, v6  }
0xf7: {  	v10 =	vnsel vm0, $0xB, v7  }
0xf8: {  	s29 =	simm.s32 $0x400;
	(xrf1) =	vunique.msk.u32 $0xffff, v10  }
0xf9: {  	v8 =	vor.u32 s29, v0;
	v7 =	vshrl.u32 v6, $0x8  }
0xfa: {  	s3 =	simm.s32 $0x800;
	vm0 =	vlt.s32 v8, v5;
	v7 =	vand.u32 $0xFF, v7  }
0xfb: {  	v8 =	vor.u32 s3, v0;
	v11 =	vnsel vm0, $0xB, v7;
	v7 =	vshrl.u32 v6, $0x10  }
0xfc: {  	s11 =	simm.s32 $0xC00;
	vm0 =	vlt.s32 v8, v5;
	(xrf1) =	vunique.msk.u32 $0xffff, v11;
	v7 =	vand.u32 $0xFF, v7  }
0xfd: {  	s15 =	simm.s32 $0x410;
	v12 =	vnsel vm0, $0xB, v7;
	v7 =	vor.u32 s11, v0  }
0xfe: {  	v13 =	vld [tilespmem:s15+$0x0];
	v6 =	vshrl.u32 v6, $0x18;
	vm0 =	vlt.s32 v7, v5;
	(xrf1) =	vunique.msk.u32 $0xffff, v12  }
0xff: {  	v16 =	vnsel vm0, $0xB, v6  }
0x100: {  	s14 =	simm.s32 $0x10;
	(xrf1) =	vunique.msk.u32 $0xffff, v16  }
0x101: {  	s9 =	simm.s32 $0x810;
	s4 =	simm.s32 $0x410;
	v6 =	vor.u32 s14, v0  }
0x102: {  	v14 =	vor.u32 s9, v0;
	vm0 =	vlt.s32 v6, v5;
	v6 =	vor.u32 s4, v0  }
0x103: {  	v7 =	vand.u32 $0xFF, v13;
	vm1 =	vlt.s32 v6, v5;
	v6 =	vshrl.u32 v13, $0x8  }
0x104: {  	v8 =	vnsel vm0, $0xB, v7;
	v7 =	vshrl.u32 v13, $0x10;
	v6 =	vand.u32 $0xFF, v6  }
0x105: {  	s12 =	simm.s32 $0xC10;
	vm0 =	vlt.s32 v14, v5;
	v9 =	vnsel vm1, $0xB, v6;
	v6 =	vand.u32 $0xFF, v7  }
0x106: {  	v17 =	vshll.u32 v10, $0x4;
	v7 =	vnsel vm0, $0xB, v6;
	v6 =	vor.u32 s12, v0;
	_, v14, vm1 =	vpop (xrf1);
	(xrf1) =	vunique.msk.u32 $0xffff, v8  }
0x107: {  	v19 =	vadd.s32 s29, v11;
	v13 =	vshrl.u32 v13, $0x18;
	vm0 =	vlt.s32 v6, v5  }
0x108: {  	v11 =	vshll.u32 v11, $0x4;
	v6 =	vnsel vm0, $0xB, v13;
	(xrf1) =	vunique.msk.u32 $0xffff, v9;
	v13 =	vadd.s32 v14, v17  }
0x109: {  	v15 =	vadd.s32 s5, v10;
	v13 =	vadd.s32 $0xFFFFFFFF, v13  }
0x10a: {  	s28 =	simm.s32 $0x420;
	s8 =	simm.s32 $0x20;
	_, v18, vm4 =	vpop (xrf1);
	(xrf1) =	vunique.msk.u32 $0xffff, v7;
	[tilespmem:s7+$0x0] =	vst v13;
	v13 =	vadd.s32 s3, v12;
	v12 =	vshll.u32 v12, $0x4  }
0x10b: {  	v10 =	vld [tilespmem:s28+$0x0];
	v17 =	vor.u32 s8, v0  }
0x10c: {  	vm2 =	vlt.s32 v17, v5;
	(xrf1) =	vunique.msk.u32 $0xffff, v6;
	v17 =	vadd.s32 v18, v11;
	_, v11, vm0 =	vpop (xrf1)  }
0x10d: {  	s10 =	simm.s32 $0x420;
	s13 =	sand.u32 $0x780, s29;
	s0 =	sand.u32 $0x70, s5  }
0x10e: {  	v20 =	vor.u32 s10, v0;
	s13 =	sor.u32 s0, s13;
	[tilespmem:v15+s20+$0x0] =	vst.idx.msk vm1, v14;
	v14 =	vadd.s32 $0xFFFFFFFF, v17;
	v15 =	vadd.s32 v11, v12;
	_, v12, vm1 =	vpop (xrf1)  }
0x10f: {  	vm3 =	vlt.s32 v20, v5;
	s3 =	sand.u32 $0xB80, s3;
	[tilespmem:s13+$0xC800] =	vst v14;
	v14 =	vadd.s32 s11, v16  }
0x110: {  	s29 =	simm.s32 $0x30;
	v17 =	vand.u32 $0xFF, v10;
	v15 =	vadd.s32 $0xFFFFFFFF, v15;
	s13 =	sor.u32 s0, s3;
	v16 =	vshll.u32 v16, $0x4;
	[tilespmem:v19+s20+$0x0] =	vst.idx.msk vm4, v18  }
.LBB2_13:
0x111: {  	p1 =	sne.s32 s29, $0x3F0;
	v17 =	vnsel vm2, $0xB, v17;
	v18 =	vshrl.u32 v10, $0x8;
	[tilespmem:s13+$0xC800] =	vst v15;
	v15 =	vadd.s32 v12, v16;
	s13 =	sand.u32 $0xF80, s11;
	s11 =	smov.u32 s12  }
0x112: {  	s3 =	sadd.s32 $0x800, s8;
	v19 =	vand.u32 $0xFF, v18;
	(xrf1) =	vunique.msk.u32 $0xffff, v17;
	[tilespmem:v13+s20+$0x0] =	vst.idx.msk vm0, v11;
	v11 =	vadd.s32 $0xFFFFFFFF, v15;
	s0 =	sor.u32 s0, s13  }
0x113: {  	v13 =	vshrl.u32 v10, $0x10;
	v18 =	vor.u32 s3, v0;
	v15 =	vnsel vm3, $0xB, v19;
	[tilespmem:s0+$0xC800] =	vst v11  }
0x114: {  	s12 =	sadd.s32 $0xC00, s8;
	v11 =	vand.u32 $0xFF, v13;
	vm0 =	vlt.s32 v18, v5;
	(xrf1) =	vunique.msk.u32 $0xffff, v15;
	_, v16, vm3 =	vpop (xrf1);
	[tilespmem:v14+s20+$0x0] =	vst.idx.msk vm1, v12  }
0x115: {  	v23 =	vor.u32 s12, v0;
	v18 =	vnsel vm0, $0xB, v11;
	v12 =	vadd.s32 s14, v8  }
0x116: {  	s28 =	sadd.s32 $0x10, s28;
	v13 =	vshrl.u32 v10, $0x18;
	vm0 =	vlt.s32 v23, v5;
	v14 =	vshll.u32 v8, $0x4;
	(xrf1) =	vunique.msk.u32 $0xffff, v18;
	_, v19, vm4 =	vpop (xrf1)  }
0x117: {  	v21 =	vadd.s32 s4, v9;
	v8 =	vmovc v17;
	v20 =	vnsel vm0, $0xB, v13;
	v22 =	vadd.s32 v16, v14;
	v10 =	vld [tilespmem:s28+$0x0]  }
.Ltmp5:
0x118: {  	s7 =	sadd.s32 $0x10, s7;
	v17 =	vshll.u32 v9, $0x4;
	v13 =	vor.u32 s29, v0;
	v14 =	vadd.s32 $0xFFFFFFFF, v22;
	(xrf1) =	vunique.msk.u32 $0xffff, v20;
	_, v11, vm0 =	vpop (xrf1);
	(pc) =	sbr.rel @p1 .LBB2_13-.Ltmp5, $4  }
0x119: {  	s4 =	sand.u32 $0x780, s4;
	s13 =	sadd.s32 $0x400, s29;
	s0 =	sand.u32 $0x70, s14;
	v9 =	vmovc v15;
	vm2 =	vlt.s32 v13, v5;
	v13 =	vadd.s32 s9, v7;
	[tilespmem:s7+$0x0] =	vst v14;
	v14 =	vadd.s32 v19, v17  }
0x11a: {  	v15 =	vor.u32 s13, v0;
	s14 =	sor.u32 s0, s4;
	s4 =	smov.u32 s10;
	s10 =	smov.u32 s13;
	[tilespmem:v12+s20+$0x0] =	vst.idx.msk vm3, v16;
	v14 =	vadd.s32 $0xFFFFFFFF, v14;
	v16 =	vshll.u32 v7, $0x4;
	_, v12, vm1 =	vpop (xrf1)  }
0x11b: {  	s13 =	sand.u32 $0xB80, s9;
	s9 =	smov.u32 s3;
	vm3 =	vlt.s32 v15, v5;
	v7 =	vmovc v18;
	[tilespmem:s14+$0xC800] =	vst v14;
	v15 =	vadd.s32 v11, v16;
	v14 =	vadd.s32 s11, v6;
	s14 =	smov.u32 s8  }
0x11c: {  	s13 =	sor.u32 s0, s13;
	v16 =	vshll.u32 v6, $0x4;
	v6 =	vmovc v20;
	s8 =	smov.u32 s29;
	s29 =	sadd.s32 $0x10, s29;
	v17 =	vand.u32 $0xFF, v10;
	[tilespmem:v21+s20+$0x0] =	vst.idx.msk vm4, v19;
	v15 =	vadd.s32 $0xFFFFFFFF, v15  }
0x11d: {  	v17 =	vnsel vm2, $0xB, v17;
	v18 =	vshrl.u32 v10, $0x8  }
0x11e: {  	s28 =	sadd.s32 $0x800, s8;
	v18 =	vand.u32 $0xFF, v18;
	(xrf1) =	vunique.msk.u32 $0xffff, v17  }
0x11f: {  	v19 =	vshrl.u32 v10, $0x10;
	v20 =	vor.u32 s28, v0;
	v18 =	vnsel vm3, $0xB, v18  }
0x120: {  	s3 =	sadd.s32 $0xC00, s8;
	v10 =	vshrl.u32 v10, $0x18;
	v19 =	vand.u32 $0xFF, v19;
	vm10 =	vlt.s32 v20, v5;
	(xrf1) =	vunique.msk.u32 $0xffff, v18  }
0x121: {  	v59 =	vor.u32 s3, v0;
	v19 =	vnsel vm10, $0xB, v19  }
0x122: {  	vm11 =	vlt.s32 v59, v5;
	(xrf1) =	vunique.msk.u32 $0xffff, v19  }
0x123: {  	v5 =	vnsel vm11, $0xB, v10  }
0x124: {  	_, v10, vm2 =	vpop (xrf1);
	(xrf1) =	vunique.msk.u32 $0xffff, v5  }
0x125: {  	[tilespmem:s13+$0xC800] =	vst v15;
	v60 =	vadd.s32 v12, v16;
	s11 =	sand.u32 $0xF80, s11;
	v61 =	vadd.s32 s14, v8  }
0x126: {  	v8 =	vshll.u32 v8, $0x4;
	s0 =	sor.u32 s0, s11;
	[tilespmem:v13+s20+$0x0] =	vst.idx.msk vm0, v11;
	v11 =	vadd.s32 $0xFFFFFFFF, v60;
	_, v62, vm12 =	vpop (xrf1)  }
0x127: {  	[tilespmem:s0+$0xC800] =	vst v11;
	v11 =	vadd.s32 s4, v9;
	v8 =	vadd.s32 v10, v8  }
0x128: {  	s15 =	sadd.s32 $0x10, s7;
	v9 =	vshll.u32 v9, $0x4;
	[tilespmem:v14+s20+$0x0] =	vst.idx.msk vm1, v12;
	v8 =	vadd.s32 $0xFFFFFFFF, v8;
	_, v63, vm13 =	vpop (xrf1)  }
0x129: {  	s29 =	sand.u32 $0x780, s4;
	s5 =	sand.u32 $0x70, s14;
	[tilespmem:s15+$0x0] =	vst v8;
	v8 =	vadd.s32 v62, v9;
	v9 =	vadd.s32 s9, v7  }
0x12a: {  	s4 =	sor.u32 s5, s29;
	v7 =	vshll.u32 v7, $0x4;
	v8 =	vadd.s32 $0xFFFFFFFF, v8;
	[tilespmem:v61+s20+$0x0] =	vst.idx.msk vm2, v10;
	_, v10, vm14 =	vpop (xrf1)  }
0x12b: {  	s11 =	sand.u32 $0xB80, s9;
	v7 =	vadd.s32 v63, v7;
	[tilespmem:s4+$0xC800] =	vst v8;
	v8 =	vadd.s32 s12, v6  }
0x12c: {  	v7 =	vadd.s32 $0xFFFFFFFF, v7;
	s4 =	sor.u32 s5, s11;
	v6 =	vshll.u32 v6, $0x4;
	[tilespmem:v11+s20+$0x0] =	vst.idx.msk vm12, v62;
	_, v11, vm15 =	vpop (xrf1)  }
0x12d: {  	s13 =	sand.u32 $0xF80, s12;
	v6 =	vadd.s32 v10, v6;
	[tilespmem:s4+$0xC800] =	vst v7;
	v7 =	vadd.s32 s8, v17  }
0x12e: {  	v6 =	vadd.s32 $0xFFFFFFFF, v6;
	s4 =	sor.u32 s5, s13;
	[tilespmem:v9+s20+$0x0] =	vst.idx.msk vm13, v63;
	v9 =	vshll.u32 v17, $0x4;
	_, v12, vm0 =	vpop (xrf1)  }
0x12f: {  	[tilespmem:s4+$0xC800] =	vst v6;
	v6 =	vadd.s32 v11, v9;
	v9 =	vadd.s32 s10, v18  }
0x130: {  	s0 =	sadd.s32 $0x10, s15;
	[tilespmem:v8+s20+$0x0] =	vst.idx.msk vm14, v10;
	v8 =	vshll.u32 v18, $0x4;
	v6 =	vadd.s32 $0xFFFFFFFF, v6;
	_, v10, vm1 =	vpop (xrf1)  }
0x131: {  	s14 =	sand.u32 $0x780, s10;
	s15 =	sand.u32 $0x70, s8;
	[tilespmem:s0+$0x0] =	vst v6;
	v6 =	vadd.s32 v12, v8;
	v8 =	vadd.s32 s28, v19  }
0x132: {  	s0 =	sor.u32 s15, s14;
	v6 =	vadd.s32 $0xFFFFFFFF, v6;
	[tilespmem:v7+s20+$0x0] =	vst.idx.msk vm15, v11;
	v7 =	vshll.u32 v19, $0x4;
	_, v11, vm2 =	vpop (xrf1)  }
0x133: {  	s28 =	sand.u32 $0xB80, s28;
	[tilespmem:s0+$0xC800] =	vst v6;
	v6 =	vadd.s32 v10, v7;
	v7 =	vadd.s32 s3, v5  }
0x134: {  	s0 =	sor.u32 s15, s28;
	v5 =	vshll.u32 v5, $0x4;
	[tilespmem:v9+s20+$0x0] =	vst.idx.msk vm0, v12;
	v6 =	vadd.s32 $0xFFFFFFFF, v6  }
0x135: {  	s29 =	sand.u32 $0xF80, s3;
	v5 =	vadd.s32 v11, v5;
	[tilespmem:s0+$0xC800] =	vst v6  }
0x136: {  	v5 =	vadd.s32 $0xFFFFFFFF, v5;
	s0 =	sor.u32 s15, s29;
	[tilespmem:v8+s20+$0x0] =	vst.idx.msk vm1, v10  }
0x137: {  	[tilespmem:s0+$0xC800] =	vst v5  }
0x138: {  	s3 =	simm.s32 $0xD820;
	[tilespmem:v7+s20+$0x0] =	vst.idx.msk vm2, v11  }
0x139: {  	v5 =	vld [tilespmem:s3+$0xFFFFFFE0]  }
0x13a: {  	v6 =	vld [tilespmem:s3+$0xFFFFFFF0]  }
0x13b: {  	v9 =	vld [tilespmem:s3+$0x0];
	_ =	sdelay $0x1  }
0x13c: {  	v8 =	vimm.s32 $0x0;
	v7 =	vld [tilespmem:s3+$0x10]  }
0x13d: {  	s0 =	simm.s32 $0xD860;
	[tilespmem:s3+$0xFFFFFFE0] =	vst v8;
	v8 =	vadd.s32 v8, v5  }
0x13e: {  	v5 =	vld [tilespmem:s0+$0xFFFFFFE0];
	[tilespmem:s3+$0xFFFFFFF0] =	vst v8;
	v8 =	vadd.s32 v8, v6  }
0x13f: {  	s4 =	simm.s32 $0x4;
	v6 =	vld [tilespmem:s0+$0xFFFFFFF0];
	[tilespmem:s3+$0x0] =	vst v8;
	v8 =	vadd.s32 v8, v9  }
.LBB2_15:
0x140: {  	s4 =	sadd.s32 $0x4, s4  }
0x141: {  	v9 =	vld [tilespmem:s0+$0x0];
	[tilespmem:s3+$0x10] =	vst v8;
	v8 =	vadd.s32 v8, v7;
	s3 =	smov.u32 s0;
	p1 =	slt.u32 s4, $0xFC  }
.Ltmp6:
0x142: {  	[tilespmem:s0+$0xFFFFFFE0] =	vst v8;
	v7 =	vld [tilespmem:s0+$0x10];
	(pc) =	sbr.rel @p1 .LBB2_15-.Ltmp6, $4  }
0x143: {  	_ = 	snop  }
0x144: {  	s0 =	sadd.s32 $0x40, s0;
	v8 =	vadd.s32 v8, v5  }
0x145: {  	v5 =	vld [tilespmem:s0+$0xFFFFFFE0];
	[tilespmem:s3+$0xFFFFFFF0] =	vst v8;
	v8 =	vadd.s32 v8, v6  }
0x146: {  	v6 =	vld [tilespmem:s0+$0xFFFFFFF0];
	[tilespmem:s3+$0x0] =	vst v8;
	v8 =	vadd.s32 v8, v9  }
0x147: {  	v9 =	vld [tilespmem:s0+$0x0];
	[tilespmem:s3+$0x10] =	vst v8  }
0x148: {  	v7 =	vadd.s32 v8, v7;
	v8 =	vld [tilespmem:s0+$0x10];
	_ =	sdelay $0x1  }
0x149: {  	v5 =	vadd.s32 v7, v5  }
0x14a: {  	v6 =	vadd.s32 v5, v6  }
0x14b: {  	[tilespmem:s0+$0xFFFFFFE0] =	vst v7;
	v7 =	vadd.s32 v6, v9  }
0x14c: {  	v8 =	vadd.s32 v7, v8  }
0x14d: {  	(xrf0) =	vadd.scan.msk.s32 $0xffff, v8;
	_ =	sdelay $0x1  }
0x14e: {  	s2 =	smul.u32 $0xB, s2;
	_ =	sdelay $0x1  }
0x14f: {  	v9 =	vadd.s32 s2, v0  }
0x150: {  	[tilespmem:s0+$0xFFFFFFF0] =	vst v5  }
0x151: {  	[tilespmem:s0+$0x0] =	vst v6;
	v5, _, _ =	vpop (xrf0)  }
0x152: {  	[tilespmem:s0+$0x10] =	vst v7;
	v5 =	vsub.s32 v5, v8  }
0x153: {  	s5 =	simm.s32 $0xE900;
	[tilespmem:$0xE800] =	vst v5  }
0x154: {  	s7 =	simm.s32 $0xEA80;
	[tilespmem:v9+s5+$0x0] =	vst.idx.msk $0x7ff, v8  }
0x155: {  	s0 =	simm.s32 @!p0 $0x4;
	[tilespmem:v9+s7+$0x0] =	vst.idx.msk $0x7ff, v5  }
0x156: {  	_ =	swait.ge @!p0 [sflag:s0], $0x3000  }
0x157: {  	[sflag:s0] =	ssyncset.done @!p0 $0x0  }
0x158: {  	s8 =	simm.s32 $0xC800;
	[sflag:s0] =	ssyncadd.s32 @!p0 $0xFFFFD000  }
0x159: {  	v5 =	vld [tilespmem:s8+$0x0];
	_ =	sdelay $0x3  }
0x15a: {  	s9 =	simm.s32 $0xC810  }
0x15b: {  	s10 =	simm.s32 $0x0;
	v6 =	vld [tilespmem:s9+$0x0];
	v11 =	vshra.s32 v5, $0x4  }
0x15c: {  	v7 =	vadd.s32 s10, v11;
	_ =	sdelay $0x1  }
0x15d: {  	v10 =	vadd.s32 s10, v1  }
0x15e: {  	v15 =	vadd.s32 s10, v3  }
0x15f: {  	v8 =	vshra.s32 v6, $0x4;
	v12 =	vld.idx.msk [tilespmem:v11+s23+$0x0], $0xffff  }
0x160: {  	s11 =	simm.s32 $0xC820;
	s12 =	simm.s32 $0x10;
	v13 =	vld.idx.msk [tilespmem:v7+s20+$0x0], $0xffff  }
0x161: {  	v9 =	vld [tilespmem:s11+$0x0];
	v14 =	vadd.s32 s12, v8  }
0x162: {  	s14 =	simm.s32 $0x30;
	v16 =	vadd.s32 s10, v4;
	v17 =	vld.idx.msk [tilespmem:v10+s18+$0x0], $0xffff  }
0x163: {  	v22 =	vadd.s32 s14, v3;
	v21 =	vld.idx.msk [tilespmem:v15+s18+$0x0], $0xffff;
	v5 =	vand.u32 $0xF, v5  }
0x164: {  	s13 =	simm.s32 $0xC830;
	v10 =	vadd.s32 s14, v1;
	v18 =	vld.idx.msk [tilespmem:v8+s23+$0x0], $0xffff;
	v12 =	vadd.s32 v12, v5  }
0x165: {  	v7 =	vld [tilespmem:s13+$0x0];
	v12 =	vadd.s32 v13, v12  }
0x166: {  	s15 =	simm.s32 $0x20;
	v19 =	vld.idx.msk [tilespmem:v14+s20+$0x0], $0xffff;
	v5 =	vshra.s32 v9, $0x4;
	v12 =	vmul.u32 $0x3, v12  }
0x167: {  	v23 =	vld.idx.msk [tilespmem:v16+s18+$0x0], $0xffff;
	vm0 =	vlt.s32 v11, $0xB;
	v20 =	vadd.s32 s15, v5  }
0x168: {  	v24 =	vadd.s32 s14, v4;
	v26 =	vnsel vm0, $0x0, v17;
	v17 =	vld.idx.msk [tilespmem:v22+s18+$0x0], $0xffff;
	v25 =	vadd.s32 $0x1, v12  }
0x169: {  	s28 =	simm.s32 $0xC840;
	s0 =	simm.s32 $0x60;
	v6 =	vand.u32 $0xF, v6;
	v13 =	vld.idx.msk [tilespmem:v10+s18+$0x0], $0xffff;
	v10 =	vadd.s32 $0x2, v12  }
0x16a: {  	v15 =	vadd.s32 s0, v1;
	v14 =	vld [tilespmem:s28+$0x0];
	v11 =	vadd.s32 v18, v6  }
0x16b: {  	s29 =	simm.s32 $0x30;
	v6 =	vshra.s32 v7, $0x4;
	v11 =	vadd.s32 v19, v11;
	v16 =	vld.idx.msk [tilespmem:v5+s23+$0x0], $0xffff  }
0x16c: {  	v22 =	vnsel vm0, $0x0, v21;
	v18 =	vld.idx.msk [tilespmem:v20+s20+$0x0], $0xffff;
	v20 =	vadd.s32 s29, v6;
	[tilespmem:v12+s26+$0x0] =	vst.idx.msk $0xffff, v26;
	v12 =	vmul.u32 $0x3, v11  }
0x16d: {  	s3 =	simm.s32 $0x40;
	s4 =	simm.s32 $0x50;
	s2 =	simm.s32 $0xC850;
	v21 =	vnsel vm0, $0x0, v23;
	v19 =	vadd.s32 s0, v3;
	v11 =	vld.idx.msk [tilespmem:v24+s18+$0x0], $0xffff;
	[tilespmem:v25+s26+$0x0] =	vst.idx.msk $0xffff, v22  }
.LBB2_17:
0x16e: {  	v22 =	vld [tilespmem:s2+$0x0];
	v23 =	vadd.s32 s0, v4;
	v24 =	vadd.s32 $0x1, v12;
	[tilespmem:v10+s26+$0x0] =	vst.idx.msk $0xffff, v21;
	p0 =	sne.s32 s4, $0xFF0  }
.Ltmp7:
0x16f: {  	v21 =	vand.u32 $0xF, v9;
	s0 =	sadd.s32 $0x30, s0;
	v10 =	vadd.s32 $0x2, v12;
	v9 =	vmovc v7;
	v7 =	vmovc v14;
	v14 =	vmov v13;
	v13 =	vld.idx.msk [tilespmem:v15+s18+$0x0], $0xffff;
	(pc) =	sbr.rel @p0 .LBB2_17-.Ltmp7, $4  }
0x170: {  	vm0 =	vlt.s32 v8, $0xB;
	v8 =	vmovc v5;
	v5 =	vmovc v6;
	v15 =	vadd.s32 s0, v1;
	v21 =	vadd.s32 v16, v21;
	v16 =	vld.idx.msk [tilespmem:v6+s23+$0x0], $0xffff  }
0x171: {  	v26 =	vnsel vm0, $0x0, v14;
	v6 =	vshra.s32 v7, $0x4;
	v21 =	vadd.s32 v18, v21;
	v18 =	vld.idx.msk [tilespmem:v20+s20+$0x0], $0xffff  }
0x172: {  	v20 =	vadd.s32 s3, v6;
	v25 =	vnsel vm0, $0x0, v17;
	s3 =	smov.u32 s4;
	v17 =	vld.idx.msk [tilespmem:v19+s18+$0x0], $0xffff;
	[tilespmem:v12+s26+$0x0] =	vst.idx.msk $0xffff, v26;
	v12 =	vmul.u32 $0x3, v21  }
0x173: {  	s2 =	sadd.s32 $0x10, s2;
	s4 =	sadd.s32 $0x10, s4;
	v19 =	vadd.s32 s0, v3;
	v21 =	vnsel vm0, $0x0, v11;
	v11 =	vld.idx.msk [tilespmem:v23+s18+$0x0], $0xffff;
	[tilespmem:v24+s26+$0x0] =	vst.idx.msk $0xffff, v25;
	v14 =	vmov v22  }
0x174: {  	_ =	sdelay $0x1  }
0x175: {  	v22 =	vshra.s32 v14, $0x4  }
0x176: {  	v23 =	vadd.s32 s3, v22  }
0x177: {  	v24 =	vadd.s32 s0, v4;
	v9 =	vand.u32 $0xF, v9;
	v25 =	vld.idx.msk [tilespmem:v6+s23+$0x0], $0xffff  }
0x178: {  	v26 =	vadd.s32 $0x1, v12;
	s28 =	sadd.s32 $0x30, s0;
	v27 =	vadd.s32 $0x2, v12;
	v42 =	vld.idx.msk [tilespmem:v20+s20+$0x0], $0xffff;
	vm0 =	vlt.s32 v8, $0xB  }
0x179: {  	v15 =	vld.idx.msk [tilespmem:v15+s18+$0x0], $0xffff;
	v7 =	vand.u32 $0xF, v7;
	v9 =	vadd.s32 v16, v9;
	v43 =	vadd.s32 s28, v1  }
0x17a: {  	v54 =	vand.u32 $0xF, v14;
	v46 =	vadd.s32 s28, v3;
	v44 =	vadd.s32 v18, v9;
	v47 =	vld.idx.msk [tilespmem:v22+s23+$0x0], $0xffff  }
0x17b: {  	v45 =	vnsel vm0, $0x0, v13;
	v28 =	vadd.s32 s28, v4;
	s0 =	sadd.s32 $0x30, s28;
	v8 =	vmul.u32 $0x3, v44;
	v23 =	vld.idx.msk [tilespmem:v23+s20+$0x0], $0xffff  }
0x17c: {  	v19 =	vld.idx.msk [tilespmem:v19+s18+$0x0], $0xffff;
	v48 =	vadd.s32 s0, v1;
	v51 =	vadd.s32 s0, v3;
	v7 =	vadd.s32 v25, v7  }
0x17d: {  	[tilespmem:v10+s26+$0x0] =	vst.idx.msk $0xffff, v21;
	v53 =	vadd.s32 s0, v4;
	v29 =	vadd.s32 $0x1, v8;
	v49 =	vld.idx.msk [tilespmem:v24+s18+$0x0], $0xffff;
	v7 =	vadd.s32 v42, v7  }
0x17e: {  	[tilespmem:v12+s26+$0x0] =	vst.idx.msk $0xffff, v45;
	v17 =	vnsel vm0, $0x0, v17;
	v50 =	vadd.s32 $0x2, v8;
	v52 =	vld.idx.msk [tilespmem:v43+s18+$0x0], $0xffff;
	v7 =	vmul.u32 $0x3, v7  }
0x17f: {  	vm13 =	vlt.s32 v5, $0xB;
	v11 =	vnsel vm0, $0x0, v11;
	[tilespmem:v26+s26+$0x0] =	vst.idx.msk $0xffff, v17;
	v5 =	vld.idx.msk [tilespmem:v46+s18+$0x0], $0xffff;
	v14 =	vadd.s32 v47, v54  }
0x180: {  	v55 =	vnsel vm13, $0x0, v15;
	[tilespmem:v27+s26+$0x0] =	vst.idx.msk $0xffff, v11;
	v56 =	vld.idx.msk [tilespmem:v28+s18+$0x0], $0xffff;
	v57 =	vadd.s32 $0x1, v7;
	v14 =	vadd.s32 v23, v14  }
0x181: {  	v58 =	vnsel vm13, $0x0, v19;
	v59 =	vld.idx.msk [tilespmem:v48+s18+$0x0], $0xffff;
	[tilespmem:v8+s26+$0x0] =	vst.idx.msk $0xffff, v55;
	v60 =	vadd.s32 $0x2, v7;
	v14 =	vmul.u32 $0x3, v14  }
0x182: {  	vm14 =	vlt.s32 v6, $0xB;
	v6 =	vld.idx.msk [tilespmem:v51+s18+$0x0], $0xffff;
	v10 =	vnsel vm13, $0x0, v49;
	[tilespmem:v29+s26+$0x0] =	vst.idx.msk $0xffff, v58  }
0x183: {  	v61 =	vld.idx.msk [tilespmem:v53+s18+$0x0], $0xffff;
	[tilespmem:v50+s26+$0x0] =	vst.idx.msk $0xffff, v10;
	v9 =	vnsel vm14, $0x0, v52;
	v62 =	vadd.s32 $0x1, v14  }
0x184: {  	s31 =	sadd.s32 $0x1, s31;
	v5 =	vnsel vm14, $0x0, v5;
	[tilespmem:v7+s26+$0x0] =	vst.idx.msk $0xffff, v9;
	v7 =	vadd.s32 $0x2, v14  }
0x185: {  	vm15 =	vlt.s32 v22, $0xB;
	p0 =	sne.s32 s31, $0x10;
	v63 =	vnsel vm14, $0x0, v56;
	[tilespmem:v57+s26+$0x0] =	vst.idx.msk $0xffff, v5  }
.Ltmp8:
0x186: {  	v5 =	vnsel vm15, $0x0, v59;
	[tilespmem:v60+s26+$0x0] =	vst.idx.msk $0xffff, v63;
	(pc) =	sbr.rel @p0 .LBB2_2-.Ltmp8, $4  }
0x187: {  	v6 =	vnsel vm15, $0x0, v6;
	[tilespmem:v14+s26+$0x0] =	vst.idx.msk $0xffff, v5  }
0x188: {  	v5 =	vnsel vm15, $0x0, v61;
	[tilespmem:v62+s26+$0x0] =	vst.idx.msk $0xffff, v6  }
0x189: {  	s29 =	sadd.s32 s22, s1;
	s4 =	simm.s32 $0x80;
	[tilespmem:v7+s26+$0x0] =	vst.idx.msk $0xffff, v5  }
0x18a: {  	[hbm4b:s29+s4] =	stream.strided.scatter [tilespmem:s26], [sflag:$0x4], $0x3000, s16, s4, $0x38;
	[tilespmem:$0xEC00] =	vst v63  }
0x18b: {  	s0 =	simm.s32 $0x3  }
0x18c: {  	_ =	swait.ge [sflag:s0], $0x3000  }
0x18d: {  	[sflag:s0] =	ssyncset.done $0x0  }
0x18e: {  	s13 =	simm.s32 $0x4;
	[sflag:s0] =	ssyncadd.s32 $0xFFFFD000  }
0x18f: {  	_ =	swait.ge [sflag:s13], $0x3000  }
0x190: {  	s11 =	simm.s32 $0x0;
	s1 =	simm.s32 $0xE900;
	[sflag:s13] =	ssyncset.done $0x0  }
0x191: {  	s2 =	simm.s32 $0x5;
	s14 =	rddreg [dreg:$0x9];
	[sflag:s13] =	ssyncadd.s32 $0xFFFFD000  }
0x192: {  	[hbm4b:s14+s11] =	stream.linear.scatter [tilespmem:s1], [sflag:$0x5], $0x160, $0x38;
	[tilespmem:$0xEC00] =	vst v63  }
0x193: {  	_ =	swait.ge [sflag:s2], $0x160  }
0x194: {  	[sflag:s2] =	ssyncset.done $0x0  }
0x195: {  	s28 =	simm.s32 $0xEA80;
	s15 =	rddreg [dreg:$0xa];
	[sflag:s2] =	ssyncadd.s32 $0xFFFFFEA0  }
0x196: {  	[hbm4b:s15+s11] =	stream.linear.scatter [tilespmem:s28], [sflag:$0x5], $0x160, $0x38;
	[tilespmem:$0xEC00] =	vst v63  }
0x197: {  	_ =	swait.ge [sflag:s2], $0x160  }
0x198: {  	s29 =	rddreg [dreg:$0xc]  }
0x199: {  	s31 =	rddreg [dreg:$0xb];
	s1 =	sadd.s32 $0x1, s29  }
0x19a: {  	p0 =	sne.s32 s1, s31  }
.Ltmp9:
0x19b: {  	_ = 	snop;
	(pc) =	sbr.rel @p0 .LBB2_1-.Ltmp9, $3  }
0x19c: {  	_ =	sdelay $0x1  }
0x19d: {  	[sflag:s2] =	ssyncset.done $0x0  }
0x19e: {  	[sflag:s2] =	ssyncadd.s32 $0xFFFFFEA0  }
0x19f: {  	_ =	sfence.sel $0x180000  }
0x1a0: {  	[bflag:$0x0] =	sbarrier.arrive $0xFFFF  }
0x1a1: {  	_ =	strace $0x90000047  }
0x1a2: {  	s0 =	stileid.u32;
	[bflag:$0x2] =	sbarrier.arrive $0xFFFF  }
0x1a3: {  	p0 =	sne.s32 s0, $0x0;
	s0 =	rddreg [dreg:$0x5]  }
0x1a4: {  	s0 =	sadd.s32 @!p0 $0x100000, s0  }
0x1a5: {  	[sflag:s0] =	ssyncadd.tile.s32 @!p0 $0x1;
	_ =	shalt  }
.Lfunc_end2:
_tile_overlayer_lowered:
.L_overlay_start_2:
0x1a6: {  	(tag) =	ssettag $0x2  }
0x1a7: {  	s0 =	rddreg [dreg:$0x0];
	s2 =	stileid.u32  }
0x1a8: {  	s1 =	rddreg [dreg:$0x1];
	p0 =	sne.s32 s2, $0x0  }
0x1a9: {  	s3 =	rddreg [dreg:$0x2];
	[bflag:$0x3] =	sbarrier.arrive $0xFFFF;
	s2 =	simm.s32 @!p0 $0x1C05  }
0x1aa: {  	[timem:s3], [sflag:s2] =	dma.local @!p0 [hbm:s0], s1  }
0x1ab: {  	s0 =	simm.s32 @!p0 $0x5  }
0x1ac: {  	_ =	swait.ge @!p0 [sflag:s0], s1  }
0x1ad: {  	s1 =	ssub.s32 @!p0 $0x0, s1;
	[sflag:s0] =	ssyncset.done @!p0 $0x0  }
0x1ae: {  	[sflag:s0] =	ssyncadd.s32 @!p0 s1  }
0x1af: {  	[bflag:$0x3] =	sbarrier.arrive $0xFFFF  }
0x1b0: {  	_ =	shalt  }

</sc_bundles>
